<compile_context>
chip_gen: v7x
topology: tpu7x:2x2x1
jax: 0.10.2.dev20260603
libtpu: 0.0.44.dev20260713+nightly
codegen_flags: <defaults>
</compile_context>

<pallas_src>
import functools

import jax
import jax.numpy as jnp
from jax import lax
from jax.experimental import pallas as pl
from jax.experimental.pallas import tpu as pltpu
from jax.experimental.pallas import tpu_sc as plsc

N = 10000
E = 320000
D = 128

NC = 2
NS = 16
NW = NC * NS

BLK = 80
NBLK0 = 127
NBLK1 = 123
P = 3
RQ = 4
IQ = 8
N_ACC = N
ROWS_PER_TILE = 632


def _msg_kernel(x_ref, w_ref, b_ref, o_ref):
    acc = jnp.dot(x_ref[...], w_ref[...],
                  preferred_element_type=jnp.float32,
                  precision=lax.Precision.DEFAULT)
    o_ref[...] = jnp.maximum(acc + b_ref[...], 0.0)


def _out_kernel(p_ref, w_ref, bo_ref, o_ref):
    s = p_ref[0] + p_ref[1]
    acc = jnp.dot(s, w_ref[...],
                  preferred_element_type=jnp.float32,
                  precision=lax.Precision.DEFAULT)
    o_ref[...] = acc + bo_ref[...]


def _segment_sum_sc(h, src_blk, dst_blk, zeros):
    mesh = plsc.VectorSubcoreMesh(core_axis_name="c", subcore_axis_name="s")

    @functools.partial(
        pl.kernel,
        mesh=mesh,
        out_type=jax.ShapeDtypeStruct((NC, N_ACC, D), jnp.float32),
        scratch_types=[
            pltpu.VMEM((IQ, BLK), jnp.int32),
            pltpu.VMEM((IQ, BLK), jnp.int32),
            pltpu.VMEM((RQ, BLK, D), jnp.float32),
            pltpu.VMEM_SHARED((N_ACC, D), jnp.float32),
            pltpu.SemaphoreType.DMA,
            pltpu.SemaphoreType.DMA,
            pltpu.SemaphoreType.DMA,
        ],
    )
    def segsum(h_hbm, src_hbm, dst_hbm, zero_hbm, out_hbm,
               sidx, didx, rows, acc, isem, gsem, ssem):
        c = lax.axis_index("c")
        s = lax.axis_index("s")

        nblk = lax.select(c == 0, NBLK0, NBLK1)
        base = lax.select(c == 0, s * NBLK0, NBLK0 * NS + s * NBLK1)

        def idx_start(b, q):
            pltpu.async_copy(src_hbm.at[base + b], sidx.at[q], isem)
            pltpu.async_copy(dst_hbm.at[base + b], didx.at[q], isem)

        def idx_wait(b, q):
            pltpu.make_async_copy(src_hbm.at[base + b], sidx.at[q],
                                  isem).wait()
            pltpu.make_async_copy(dst_hbm.at[base + b], didx.at[q],
                                  isem).wait()

        def gather_start(q, j):
            pltpu.async_copy(h_hbm.at[sidx.at[q]], rows.at[j], gsem)

        def gather_wait(q, j):
            pltpu.make_async_copy(h_hbm.at[sidx.at[q]], rows.at[j],
                                  gsem).wait()

        def scatter_start(q, j):
            pltpu.async_copy(rows.at[j], acc.at[didx.at[q]], ssem, add=True)

        def scatter_wait(q, j):
            pltpu.make_async_copy(rows.at[j], acc.at[didx.at[q]],
                                  ssem).wait()

        @pl.loop(0, P + 1)
        def _(k):
            idx_start(k, lax.rem(k, IQ))

        @pl.loop(0, P)
        def _(k):
            idx_wait(k, lax.rem(k, IQ))
            gather_start(lax.rem(k, IQ), lax.rem(k, RQ))

        r0 = lax.min(s * ROWS_PER_TILE, N_ACC - ROWS_PER_TILE)
        pltpu.sync_copy(zero_hbm.at[pl.ds(r0, ROWS_PER_TILE)],
                        acc.at[pl.ds(r0, ROWS_PER_TILE)])
        plsc.subcore_barrier()

        @pl.loop(0, NBLK0)
        def _(b):
            @pl.when(b < nblk)
            def _():
                jb = lax.rem(b, RQ)

                @pl.when(b + P + 1 < nblk)
                def _():
                    idx_start(b + P + 1, lax.rem(b + P + 1, IQ))

                gather_wait(lax.rem(b, IQ), jb)

                @pl.when(b >= 1)
                def _():
                    scatter_wait(lax.rem(b - 1, IQ), lax.rem(b - 1, RQ))

                scatter_start(lax.rem(b, IQ), jb)

                @pl.when(b + P < nblk)
                def _():
                    qn = lax.rem(b + P, IQ)
                    idx_wait(b + P, qn)
                    gather_start(qn, lax.rem(b + P, RQ))

        @pl.when(c == 0)
        def _():
            scatter_wait(lax.rem(NBLK0 - 1, IQ), (NBLK0 - 1) % RQ)

        @pl.when(c == 1)
        def _():
            scatter_wait(lax.rem(NBLK1 - 1, IQ), (NBLK1 - 1) % RQ)

        plsc.subcore_barrier()
        pltpu.sync_copy(acc.at[pl.ds(r0, ROWS_PER_TILE)],
                        out_hbm.at[c, pl.ds(r0, ROWS_PER_TILE)])

    return segsum(h, src_blk, dst_blk, zeros)


def kernel(x, edge_index, Wm, bm, Wo, bo):
    h = pl.pallas_call(
        _msg_kernel,
        out_shape=jax.ShapeDtypeStruct((N, D), jnp.float32),
    )(x, Wm, bm.reshape(1, D))

    zeros = jnp.zeros((N_ACC, D), jnp.float32)
    src_blk = edge_index[0].reshape(E // BLK, BLK)
    dst_blk = edge_index[1].reshape(E // BLK, BLK)
    parts = _segment_sum_sc(h, src_blk, dst_blk, zeros)

    out = pl.pallas_call(
        _out_kernel,
        out_shape=jax.ShapeDtypeStruct((N, D), jnp.float32),
    )(parts, Wo, bo.reshape(1, D))
    return out

# --- scband reference (transcript-rebuilt; emitter-appended) ---
"""Pipeline reference for scband-mplayer-43611097923599 (READ-ONLY COPY).

The authoritative reference and input builder live on the scoring server;
editing this copy changes nothing except your own understanding.
"""

import jax, jax.numpy as jnp
import numpy as np

N = 10000
E = 320000
D_IN = 128
D_OUT = 128


def setup_inputs(seed: int = 0) -> dict:
    key = jax.random.key(seed)
    ks = jax.random.split(key, 6)
    x = jax.random.normal(ks[0], (N, D_IN), dtype=jnp.float32)
    edge_index = jax.random.randint(ks[1], (2, E), 0, N, dtype=jnp.int32)
    # message layer: Dense(in_feats) with ReLU applied to src node features
    Wm = jax.random.normal(ks[2], (D_IN, D_IN), dtype=jnp.float32) * (1.0 / np.sqrt(D_IN))
    bm = jnp.zeros((D_IN,), dtype=jnp.float32)
    # output layer: Dense(out_feats) applied after aggregation
    Wo = jax.random.normal(ks[3], (D_IN, D_OUT), dtype=jnp.float32) * (1.0 / np.sqrt(D_IN))
    bo = jnp.zeros((D_OUT,), dtype=jnp.float32)
    return {"x": x, "edge_index": edge_index, "Wm": Wm, "bm": bm, "Wo": Wo, "bo": bo}


def reference(x, edge_index, Wm, bm, Wo, bo):
    # MPLayer forward: one round of message passing.
    src = edge_index[0]
    dst = edge_index[1]
    # message(): ReLU(Linear(src node feats)) computed per edge
    src_feats = jnp.take(x, src, axis=0)          # gather [E, D_IN]
    msg = jax.nn.relu(src_feats @ Wm + bm)        # [E, D_IN]
    # reduce(): sum messages in each dst node's mailbox
    agg = jax.ops.segment_sum(msg, dst, num_segments=x.shape[0])  # scatter-add [N, D_IN]
    # output layer applied to all nodes; new node_feats
    out = agg @ Wo + bo                           # [N, D_OUT]
    return out

if __name__ == "__main__":
    import jax
    _d = setup_inputs()
    print(jax.jit(kernel)(*tuple(_d.values())))

</pallas_src>

<mosaic_0001>
#map = affine_map<(d0, d1) -> (0, 0)>
#map1 = affine_map<(d0, d1) -> (0, 0, 0)>
module attributes {stable_mosaic.version = 14 : i64} {
  func.func @segsum(%arg0: i32, %arg1: i32, %arg2: memref<10000x128xf32, #tpu.memory_space<hbm>>, %arg3: memref<4000x80xi32, #tpu.memory_space<hbm>>, %arg4: memref<4000x80xi32, #tpu.memory_space<hbm>>, %arg5: memref<10000x128xf32, #tpu.memory_space<hbm>>, %arg6: memref<2x10000x128xf32, #tpu.memory_space<hbm>>, %arg7: memref<8x80xi32, #tpu.memory_space<vmem>>, %arg8: memref<8x80xi32, #tpu.memory_space<vmem>>, %arg9: memref<4x80x128xf32, #tpu.memory_space<vmem>>, %arg10: memref<10000x128xf32, #tpu.memory_space<vmem_shared>>, %arg11: memref<!tpu.dma_semaphore, #tpu.memory_space<semaphore_mem>>, %arg12: memref<!tpu.dma_semaphore, #tpu.memory_space<semaphore_mem>>, %arg13: memref<!tpu.dma_semaphore, #tpu.memory_space<semaphore_mem>>) attributes {dimension_semantics = [#tpu.dimension_semantics<core_parallel>, #tpu.dimension_semantics<subcore_parallel>], iteration_bounds = array<i64: 2, 16>, scalar_prefetch = 0 : i64, scratch_operands = 7 : i64, tpu.core_type = #tpu.core_type<sc_vector_subcore>, window_params = [{transform_indices = #map}, {transform_indices = #map}, {transform_indices = #map}, {transform_indices = #map}, {transform_indices = #map1}]} {
    %eq3A = arith.constant 0 : i32
    %eq3A_0 = arith.cmpi eq, %arg0, %eq3A : i32
    %select_n3A = arith.constant 123 : i32
    %select_n3A_1 = arith.constant 127 : i32
    %select_n3A_2 = arith.select %eq3A_0, %select_n3A_1, %select_n3A : i32
    %eq3A_3 = arith.constant 0 : i32
    %eq3A_4 = arith.cmpi eq, %arg0, %eq3A_3 : i32
    %mul3A = arith.constant 127 : i32
    %mul3A_5 = arith.muli %arg1, %mul3A : i32
    %mul3A_6 = arith.constant 123 : i32
    %mul3A_7 = arith.muli %arg1, %mul3A_6 : i32
    %add3A = arith.constant 2032 : i32
    %add3A_8 = arith.addi %add3A, %mul3A_7 : i32
    %select_n3A_9 = arith.select %eq3A_4, %mul3A_5, %add3A_8 : i32
    %scan3A = arith.constant 0 : i32
    %scan3A_10 = arith.constant 4 : i32
    %scan3A_11 = arith.addi %scan3A, %scan3A_10 : i32
    %scan3A_12 = arith.constant 1 : i32
    scf.for %scan3A_36 = %scan3A to %scan3A_11 step %scan3A_12  : i32 {
      %mul3A_37 = arith.constant 1 : i32
      %mul3A_38 = arith.muli %scan3A_36, %mul3A_37 : i32
      %add3A_39 = arith.constant 0 : i32
      %add3A_40 = arith.addi %add3A_39, %mul3A_38 : i32
      %rem3A = arith.constant 8 : i32
      %rem3A_41 = arith.remsi %add3A_40, %rem3A : i32
      %add3A_42 = arith.addi %select_n3A_9, %add3A_40 : i32
      %dma_start3A = arith.constant 0 : i32
      %dma_start3A_43 = tpu.memref_slice %arg7[%rem3A_41, %dma_start3A] : memref<8x80xi32, #tpu.memory_space<vmem>> -> memref<1x80xi32, #tpu.memory_space<vmem>>
      %dma_start3A_44 = tpu.memref_squeeze %dma_start3A_43 : memref<1x80xi32, #tpu.memory_space<vmem>> -> memref<80xi32, #tpu.memory_space<vmem>>
      %dma_start3A_45 = arith.constant 0 : i32
      %dma_start3A_46 = tpu.memref_slice %arg3[%add3A_42, %dma_start3A_45] : memref<4000x80xi32, #tpu.memory_space<hbm>> -> memref<1x80xi32, #tpu.memory_space<hbm>>
      %dma_start3A_47 = tpu.memref_squeeze %dma_start3A_46 : memref<1x80xi32, #tpu.memory_space<hbm>> -> memref<80xi32, #tpu.memory_space<hbm>>
      %dma_start3A_48 = arith.constant 0 : i32
      %dma_start3A_49 = tpu.memref_slice %arg7[%rem3A_41, %dma_start3A_48] : memref<8x80xi32, #tpu.memory_space<vmem>> -> memref<1x80xi32, #tpu.memory_space<vmem>>
      %dma_start3A_50 = tpu.memref_squeeze %dma_start3A_49 : memref<1x80xi32, #tpu.memory_space<vmem>> -> memref<80xi32, #tpu.memory_space<vmem>>
      %dma_start3A_51 = arith.constant 0 : i32
      %dma_start3A_52 = tpu.memref_slice %arg3[%add3A_42, %dma_start3A_51] : memref<4000x80xi32, #tpu.memory_space<hbm>> -> memref<1x80xi32, #tpu.memory_space<hbm>>
      %dma_start3A_53 = tpu.memref_squeeze %dma_start3A_52 : memref<1x80xi32, #tpu.memory_space<hbm>> -> memref<80xi32, #tpu.memory_space<hbm>>
      tpu.enqueue_dma source(%dma_start3A_53 : memref<80xi32, #tpu.memory_space<hbm>>) target(%dma_start3A_50 : memref<80xi32, #tpu.memory_space<vmem>>) target_semaphore(%arg11 : memref<!tpu.dma_semaphore, #tpu.memory_space<semaphore_mem>>)
      %add3A_54 = arith.addi %select_n3A_9, %add3A_40 : i32
      %dma_start3A_55 = arith.constant 0 : i32
      %dma_start3A_56 = tpu.memref_slice %arg8[%rem3A_41, %dma_start3A_55] : memref<8x80xi32, #tpu.memory_space<vmem>> -> memref<1x80xi32, #tpu.memory_space<vmem>>
      %dma_start3A_57 = tpu.memref_squeeze %dma_start3A_56 : memref<1x80xi32, #tpu.memory_space<vmem>> -> memref<80xi32, #tpu.memory_space<vmem>>
      %dma_start3A_58 = arith.constant 0 : i32
      %dma_start3A_59 = tpu.memref_slice %arg4[%add3A_54, %dma_start3A_58] : memref<4000x80xi32, #tpu.memory_space<hbm>> -> memref<1x80xi32, #tpu.memory_space<hbm>>
      %dma_start3A_60 = tpu.memref_squeeze %dma_start3A_59 : memref<1x80xi32, #tpu.memory_space<hbm>> -> memref<80xi32, #tpu.memory_space<hbm>>
      %dma_start3A_61 = arith.constant 0 : i32
      %dma_start3A_62 = tpu.memref_slice %arg8[%rem3A_41, %dma_start3A_61] : memref<8x80xi32, #tpu.memory_space<vmem>> -> memref<1x80xi32, #tpu.memory_space<vmem>>
      %dma_start3A_63 = tpu.memref_squeeze %dma_start3A_62 : memref<1x80xi32, #tpu.memory_space<vmem>> -> memref<80xi32, #tpu.memory_space<vmem>>
      %dma_start3A_64 = arith.constant 0 : i32
      %dma_start3A_65 = tpu.memref_slice %arg4[%add3A_54, %dma_start3A_64] : memref<4000x80xi32, #tpu.memory_space<hbm>> -> memref<1x80xi32, #tpu.memory_space<hbm>>
      %dma_start3A_66 = tpu.memref_squeeze %dma_start3A_65 : memref<1x80xi32, #tpu.memory_space<hbm>> -> memref<80xi32, #tpu.memory_space<hbm>>
      tpu.enqueue_dma source(%dma_start3A_66 : memref<80xi32, #tpu.memory_space<hbm>>) target(%dma_start3A_63 : memref<80xi32, #tpu.memory_space<vmem>>) target_semaphore(%arg11 : memref<!tpu.dma_semaphore, #tpu.memory_space<semaphore_mem>>)
    }
    %scan3A_13 = arith.constant 4 : i32
    %scan3A_14 = arith.constant 0 : i32
    %scan3A_15 = arith.constant 3 : i32
    %scan3A_16 = arith.addi %scan3A_14, %scan3A_15 : i32
    %scan3A_17 = arith.constant 1 : i32
    scf.for %scan3A_36 = %scan3A_14 to %scan3A_16 step %scan3A_17  : i32 {
      %mul3A_37 = arith.constant 1 : i32
      %mul3A_38 = arith.muli %scan3A_36, %mul3A_37 : i32
      %add3A_39 = arith.constant 0 : i32
      %add3A_40 = arith.addi %add3A_39, %mul3A_38 : i32
      %rem3A = arith.constant 8 : i32
      %rem3A_41 = arith.remsi %add3A_40, %rem3A : i32
      %add3A_42 = arith.addi %select_n3A_9, %add3A_40 : i32
      %dma_wait3A = arith.constant 0 : i32
      %dma_wait3A_43 = tpu.memref_slice %arg7[%rem3A_41, %dma_wait3A] : memref<8x80xi32, #tpu.memory_space<vmem>> -> memref<1x80xi32, #tpu.memory_space<vmem>>
      %dma_wait3A_44 = tpu.memref_squeeze %dma_wait3A_43 : memref<1x80xi32, #tpu.memory_space<vmem>> -> memref<80xi32, #tpu.memory_space<vmem>>
      %dma_wait3A_45 = arith.constant 0 : i32
      %dma_wait3A_46 = tpu.memref_slice %arg3[%add3A_42, %dma_wait3A_45] : memref<4000x80xi32, #tpu.memory_space<hbm>> -> memref<1x80xi32, #tpu.memory_space<hbm>>
      %dma_wait3A_47 = tpu.memref_squeeze %dma_wait3A_46 : memref<1x80xi32, #tpu.memory_space<hbm>> -> memref<80xi32, #tpu.memory_space<hbm>>
      %dma_wait3A_48 = arith.constant 0 : i32
      %dma_wait3A_49 = tpu.memref_slice %arg7[%rem3A_41, %dma_wait3A_48] : memref<8x80xi32, #tpu.memory_space<vmem>> -> memref<1x80xi32, #tpu.memory_space<vmem>>
      %dma_wait3A_50 = tpu.memref_squeeze %dma_wait3A_49 : memref<1x80xi32, #tpu.memory_space<vmem>> -> memref<80xi32, #tpu.memory_space<vmem>>
      %dma_wait3A_51 = arith.constant 0 : i32
      %dma_wait3A_52 = tpu.memref_slice %arg3[%add3A_42, %dma_wait3A_51] : memref<4000x80xi32, #tpu.memory_space<hbm>> -> memref<1x80xi32, #tpu.memory_space<hbm>>
      %dma_wait3A_53 = tpu.memref_squeeze %dma_wait3A_52 : memref<1x80xi32, #tpu.memory_space<hbm>> -> memref<80xi32, #tpu.memory_space<hbm>>
      tpu.wait_dma2 semaphore(%arg11 : memref<!tpu.dma_semaphore, #tpu.memory_space<semaphore_mem>>) src(%dma_wait3A_53 : memref<80xi32, #tpu.memory_space<hbm>>) dst(%dma_wait3A_50 : memref<80xi32, #tpu.memory_space<vmem>>)
      %add3A_54 = arith.addi %select_n3A_9, %add3A_40 : i32
      %dma_wait3A_55 = arith.constant 0 : i32
      %dma_wait3A_56 = tpu.memref_slice %arg8[%rem3A_41, %dma_wait3A_55] : memref<8x80xi32, #tpu.memory_space<vmem>> -> memref<1x80xi32, #tpu.memory_space<vmem>>
      %dma_wait3A_57 = tpu.memref_squeeze %dma_wait3A_56 : memref<1x80xi32, #tpu.memory_space<vmem>> -> memref<80xi32, #tpu.memory_space<vmem>>
      %dma_wait3A_58 = arith.constant 0 : i32
      %dma_wait3A_59 = tpu.memref_slice %arg4[%add3A_54, %dma_wait3A_58] : memref<4000x80xi32, #tpu.memory_space<hbm>> -> memref<1x80xi32, #tpu.memory_space<hbm>>
      %dma_wait3A_60 = tpu.memref_squeeze %dma_wait3A_59 : memref<1x80xi32, #tpu.memory_space<hbm>> -> memref<80xi32, #tpu.memory_space<hbm>>
      %dma_wait3A_61 = arith.constant 0 : i32
      %dma_wait3A_62 = tpu.memref_slice %arg8[%rem3A_41, %dma_wait3A_61] : memref<8x80xi32, #tpu.memory_space<vmem>> -> memref<1x80xi32, #tpu.memory_space<vmem>>
      %dma_wait3A_63 = tpu.memref_squeeze %dma_wait3A_62 : memref<1x80xi32, #tpu.memory_space<vmem>> -> memref<80xi32, #tpu.memory_space<vmem>>
      %dma_wait3A_64 = arith.constant 0 : i32
      %dma_wait3A_65 = tpu.memref_slice %arg4[%add3A_54, %dma_wait3A_64] : memref<4000x80xi32, #tpu.memory_space<hbm>> -> memref<1x80xi32, #tpu.memory_space<hbm>>
      %dma_wait3A_66 = tpu.memref_squeeze %dma_wait3A_65 : memref<1x80xi32, #tpu.memory_space<hbm>> -> memref<80xi32, #tpu.memory_space<hbm>>
      tpu.wait_dma2 semaphore(%arg11 : memref<!tpu.dma_semaphore, #tpu.memory_space<semaphore_mem>>) src(%dma_wait3A_66 : memref<80xi32, #tpu.memory_space<hbm>>) dst(%dma_wait3A_63 : memref<80xi32, #tpu.memory_space<vmem>>)
      %rem3A_67 = arith.constant 8 : i32
      %rem3A_68 = arith.remsi %add3A_40, %rem3A_67 : i32
      %rem3A_69 = arith.constant 4 : i32
      %rem3A_70 = arith.remsi %add3A_40, %rem3A_69 : i32
      %dma_start3A = arith.constant 0 : i32
      %dma_start3A_71 = arith.constant 0 : i32
      %dma_start3A_72 = tpu.memref_slice %arg9[%rem3A_70, %dma_start3A, %dma_start3A_71] : memref<4x80x128xf32, #tpu.memory_space<vmem>> -> memref<1x80x128xf32, #tpu.memory_space<vmem>>
      %dma_start3A_73 = tpu.memref_squeeze %dma_start3A_72 : memref<1x80x128xf32, #tpu.memory_space<vmem>> -> memref<80x128xf32, #tpu.memory_space<vmem>>
      %dma_start3A_74 = arith.constant 0 : i32
      %dma_start3A_75 = tpu.memref_slice %arg7[%rem3A_68, %dma_start3A_74] : memref<8x80xi32, #tpu.memory_space<vmem>> -> memref<1x80xi32, #tpu.memory_space<vmem>>
      %dma_start3A_76 = tpu.memref_squeeze %dma_start3A_75 : memref<1x80xi32, #tpu.memory_space<vmem>> -> memref<80xi32, #tpu.memory_space<vmem>>
      %dma_start3A_77 = arith.constant 0 : i32
      %dma_start3A_78 = arith.constant 0 : i32
      %dma_start3A_79 = tpu.memref_slice %arg2[%dma_start3A_77, %dma_start3A_78] : memref<10000x128xf32, #tpu.memory_space<hbm>> -> memref<10000x128xf32, #tpu.memory_space<hbm>>
      tpu.enqueue_indirect_dma source(%dma_start3A_79 : memref<10000x128xf32, #tpu.memory_space<hbm>>) target(%dma_start3A_73 : memref<80x128xf32, #tpu.memory_space<vmem>>) offsets(%dma_start3A_76 : memref<80xi32, #tpu.memory_space<vmem>>) semaphore(%arg12 : memref<!tpu.dma_semaphore, #tpu.memory_space<semaphore_mem>>)
    }
    %scan3A_18 = arith.constant 3 : i32
    %mul3A_19 = arith.constant 632 : i32
    %mul3A_20 = arith.muli %arg1, %mul3A_19 : i32
    %min3A = arith.constant 9368 : i32
    %min3A_21 = arith.minsi %mul3A_20, %min3A : i32
    "tpu.region"() ({
      %run_scoped3A = tpu.sem_alloc : memref<!tpu.dma_semaphore, #tpu.memory_space<semaphore_mem>>
      %dma_start3A = arith.constant 0 : i32
      %dma_start3A_36 = tpu.memref_slice %arg10[%min3A_21, %dma_start3A] : memref<10000x128xf32, #tpu.memory_space<vmem_shared>> -> memref<632x128xf32, #tpu.memory_space<vmem_shared>>
      %dma_start3A_37 = arith.constant 0 : i32
      %dma_start3A_38 = tpu.memref_slice %arg5[%min3A_21, %dma_start3A_37] : memref<10000x128xf32, #tpu.memory_space<hbm>> -> memref<632x128xf32, #tpu.memory_space<hbm>>
      tpu.enqueue_dma source(%dma_start3A_38 : memref<632x128xf32, #tpu.memory_space<hbm>>) target(%dma_start3A_36 : memref<632x128xf32, #tpu.memory_space<vmem_shared>>) target_semaphore(%run_scoped3A : memref<!tpu.dma_semaphore, #tpu.memory_space<semaphore_mem>>)
      %dma_wait3A = arith.constant 0 : i32
      %dma_wait3A_39 = tpu.memref_slice %arg10[%min3A_21, %dma_wait3A] : memref<10000x128xf32, #tpu.memory_space<vmem_shared>> -> memref<632x128xf32, #tpu.memory_space<vmem_shared>>
      %dma_wait3A_40 = arith.constant 0 : i32
      %dma_wait3A_41 = tpu.memref_slice %arg5[%min3A_21, %dma_wait3A_40] : memref<10000x128xf32, #tpu.memory_space<hbm>> -> memref<632x128xf32, #tpu.memory_space<hbm>>
      tpu.wait_dma2 semaphore(%run_scoped3A : memref<!tpu.dma_semaphore, #tpu.memory_space<semaphore_mem>>) src(%dma_wait3A_41 : memref<632x128xf32, #tpu.memory_space<hbm>>) dst(%dma_wait3A_39 : memref<632x128xf32, #tpu.memory_space<vmem_shared>>)
      tpu.yield
    }) : () -> ()
    %barrier3A = arith.constant 0 : index
    tpu.barrier barrier_id(%barrier3A)
    %scan3A_22 = arith.constant 0 : i32
    %scan3A_23 = arith.constant 127 : i32
    %scan3A_24 = arith.addi %scan3A_22, %scan3A_23 : i32
    %scan3A_25 = arith.constant 1 : i32
    scf.for %scan3A_36 = %scan3A_22 to %scan3A_24 step %scan3A_25  : i32 {
      %mul3A_37 = arith.constant 1 : i32
      %mul3A_38 = arith.muli %scan3A_36, %mul3A_37 : i32
      %add3A_39 = arith.constant 0 : i32
      %add3A_40 = arith.addi %add3A_39, %mul3A_38 : i32
      %lt3A = arith.cmpi slt, %add3A_40, %select_n3A_2 : i32
      %convert_element_type3A_41 = arith.extui %lt3A : i1 to i32
      %cond3A_42 = arith.constant 0 : i32
      %cond3A_43 = arith.cmpi ne, %convert_element_type3A_41, %cond3A_42 : i32
      scf.if %cond3A_43 {
        %rem3A = arith.constant 4 : i32
        %rem3A_44 = arith.remsi %add3A_40, %rem3A : i32
        %add3A_45 = arith.constant 3 : i32
        %add3A_46 = arith.addi %add3A_40, %add3A_45 : i32
        %add3A_47 = arith.constant 1 : i32
        %add3A_48 = arith.addi %add3A_46, %add3A_47 : i32
        %lt3A_49 = arith.cmpi slt, %add3A_48, %select_n3A_2 : i32
        %convert_element_type3A_50 = arith.extui %lt3A_49 : i1 to i32
        %cond3A_51 = arith.constant 0 : i32
        %cond3A_52 = arith.cmpi ne, %convert_element_type3A_50, %cond3A_51 : i32
        scf.if %cond3A_52 {
          %add3A_85 = arith.constant 3 : i32
          %add3A_86 = arith.addi %add3A_40, %add3A_85 : i32
          %add3A_87 = arith.constant 1 : i32
          %add3A_88 = arith.addi %add3A_86, %add3A_87 : i32
          %add3A_89 = arith.constant 3 : i32
          %add3A_90 = arith.addi %add3A_40, %add3A_89 : i32
          %add3A_91 = arith.constant 1 : i32
          %add3A_92 = arith.addi %add3A_90, %add3A_91 : i32
          %rem3A_93 = arith.constant 8 : i32
          %rem3A_94 = arith.remsi %add3A_92, %rem3A_93 : i32
          %add3A_95 = arith.addi %select_n3A_9, %add3A_88 : i32
          %dma_start3A_96 = arith.constant 0 : i32
          %dma_start3A_97 = tpu.memref_slice %arg7[%rem3A_94, %dma_start3A_96] : memref<8x80xi32, #tpu.memory_space<vmem>> -> memref<1x80xi32, #tpu.memory_space<vmem>>
          %dma_start3A_98 = tpu.memref_squeeze %dma_start3A_97 : memref<1x80xi32, #tpu.memory_space<vmem>> -> memref<80xi32, #tpu.memory_space<vmem>>
          %dma_start3A_99 = arith.constant 0 : i32
          %dma_start3A_100 = tpu.memref_slice %arg3[%add3A_95, %dma_start3A_99] : memref<4000x80xi32, #tpu.memory_space<hbm>> -> memref<1x80xi32, #tpu.memory_space<hbm>>
          %dma_start3A_101 = tpu.memref_squeeze %dma_start3A_100 : memref<1x80xi32, #tpu.memory_space<hbm>> -> memref<80xi32, #tpu.memory_space<hbm>>
          %dma_start3A_102 = arith.constant 0 : i32
          %dma_start3A_103 = tpu.memref_slice %arg7[%rem3A_94, %dma_start3A_102] : memref<8x80xi32, #tpu.memory_space<vmem>> -> memref<1x80xi32, #tpu.memory_space<vmem>>
          %dma_start3A_104 = tpu.memref_squeeze %dma_start3A_103 : memref<1x80xi32, #tpu.memory_space<vmem>> -> memref<80xi32, #tpu.memory_space<vmem>>
          %dma_start3A_105 = arith.constant 0 : i32
          %dma_start3A_106 = tpu.memref_slice %arg3[%add3A_95, %dma_start3A_105] : memref<4000x80xi32, #tpu.memory_space<hbm>> -> memref<1x80xi32, #tpu.memory_space<hbm>>
          %dma_start3A_107 = tpu.memref_squeeze %dma_start3A_106 : memref<1x80xi32, #tpu.memory_space<hbm>> -> memref<80xi32, #tpu.memory_space<hbm>>
          tpu.enqueue_dma source(%dma_start3A_107 : memref<80xi32, #tpu.memory_space<hbm>>) target(%dma_start3A_104 : memref<80xi32, #tpu.memory_space<vmem>>) target_semaphore(%arg11 : memref<!tpu.dma_semaphore, #tpu.memory_space<semaphore_mem>>)
          %add3A_108 = arith.addi %select_n3A_9, %add3A_88 : i32
          %dma_start3A_109 = arith.constant 0 : i32
          %dma_start3A_110 = tpu.memref_slice %arg8[%rem3A_94, %dma_start3A_109] : memref<8x80xi32, #tpu.memory_space<vmem>> -> memref<1x80xi32, #tpu.memory_space<vmem>>
          %dma_start3A_111 = tpu.memref_squeeze %dma_start3A_110 : memref<1x80xi32, #tpu.memory_space<vmem>> -> memref<80xi32, #tpu.memory_space<vmem>>
          %dma_start3A_112 = arith.constant 0 : i32
          %dma_start3A_113 = tpu.memref_slice %arg4[%add3A_108, %dma_start3A_112] : memref<4000x80xi32, #tpu.memory_space<hbm>> -> memref<1x80xi32, #tpu.memory_space<hbm>>
          %dma_start3A_114 = tpu.memref_squeeze %dma_start3A_113 : memref<1x80xi32, #tpu.memory_space<hbm>> -> memref<80xi32, #tpu.memory_space<hbm>>
          %dma_start3A_115 = arith.constant 0 : i32
          %dma_start3A_116 = tpu.memref_slice %arg8[%rem3A_94, %dma_start3A_115] : memref<8x80xi32, #tpu.memory_space<vmem>> -> memref<1x80xi32, #tpu.memory_space<vmem>>
          %dma_start3A_117 = tpu.memref_squeeze %dma_start3A_116 : memref<1x80xi32, #tpu.memory_space<vmem>> -> memref<80xi32, #tpu.memory_space<vmem>>
          %dma_start3A_118 = arith.constant 0 : i32
          %dma_start3A_119 = tpu.memref_slice %arg4[%add3A_108, %dma_start3A_118] : memref<4000x80xi32, #tpu.memory_space<hbm>> -> memref<1x80xi32, #tpu.memory_space<hbm>>
          %dma_start3A_120 = tpu.memref_squeeze %dma_start3A_119 : memref<1x80xi32, #tpu.memory_space<hbm>> -> memref<80xi32, #tpu.memory_space<hbm>>
          tpu.enqueue_dma source(%dma_start3A_120 : memref<80xi32, #tpu.memory_space<hbm>>) target(%dma_start3A_117 : memref<80xi32, #tpu.memory_space<vmem>>) target_semaphore(%arg11 : memref<!tpu.dma_semaphore, #tpu.memory_space<semaphore_mem>>)
        } else {
        }
        %rem3A_53 = arith.constant 8 : i32
        %rem3A_54 = arith.remsi %add3A_40, %rem3A_53 : i32
        %dma_wait3A = arith.constant 0 : i32
        %dma_wait3A_55 = arith.constant 0 : i32
        %dma_wait3A_56 = tpu.memref_slice %arg9[%rem3A_44, %dma_wait3A, %dma_wait3A_55] : memref<4x80x128xf32, #tpu.memory_space<vmem>> -> memref<1x80x128xf32, #tpu.memory_space<vmem>>
        %dma_wait3A_57 = tpu.memref_squeeze %dma_wait3A_56 : memref<1x80x128xf32, #tpu.memory_space<vmem>> -> memref<80x128xf32, #tpu.memory_space<vmem>>
        %dma_wait3A_58 = arith.constant 0 : i32
        %dma_wait3A_59 = tpu.memref_slice %arg7[%rem3A_54, %dma_wait3A_58] : memref<8x80xi32, #tpu.memory_space<vmem>> -> memref<1x80xi32, #tpu.memory_space<vmem>>
        %dma_wait3A_60 = tpu.memref_squeeze %dma_wait3A_59 : memref<1x80xi32, #tpu.memory_space<vmem>> -> memref<80xi32, #tpu.memory_space<vmem>>
        %dma_wait3A_61 = arith.constant 0 : i32
        %dma_wait3A_62 = arith.constant 0 : i32
        %dma_wait3A_63 = tpu.memref_slice %arg2[%dma_wait3A_61, %dma_wait3A_62] : memref<10000x128xf32, #tpu.memory_space<hbm>> -> memref<10000x128xf32, #tpu.memory_space<hbm>>
        tpu.wait_indirect_dma semaphore(%arg12 : memref<!tpu.dma_semaphore, #tpu.memory_space<semaphore_mem>>) src(%dma_wait3A_63 : memref<10000x128xf32, #tpu.memory_space<hbm>>) dst(%dma_wait3A_57 : memref<80x128xf32, #tpu.memory_space<vmem>>)
        %ge3A = arith.constant 1 : i32
        %ge3A_64 = arith.cmpi sge, %add3A_40, %ge3A : i32
        %convert_element_type3A_65 = arith.extui %ge3A_64 : i1 to i32
        %cond3A_66 = arith.constant 0 : i32
        %cond3A_67 = arith.cmpi ne, %convert_element_type3A_65, %cond3A_66 : i32
        scf.if %cond3A_67 {
          %sub3A = arith.constant 1 : i32
          %sub3A_85 = arith.subi %add3A_40, %sub3A : i32
          %rem3A_86 = arith.constant 8 : i32
          %rem3A_87 = arith.remsi %sub3A_85, %rem3A_86 : i32
          %sub3A_88 = arith.constant 1 : i32
          %sub3A_89 = arith.subi %add3A_40, %sub3A_88 : i32
          %rem3A_90 = arith.constant 4 : i32
          %rem3A_91 = arith.remsi %sub3A_89, %rem3A_90 : i32
          %dma_wait3A_92 = arith.constant 0 : i32
          %dma_wait3A_93 = arith.constant 0 : i32
          %dma_wait3A_94 = tpu.memref_slice %arg9[%rem3A_91, %dma_wait3A_92, %dma_wait3A_93] : memref<4x80x128xf32, #tpu.memory_space<vmem>> -> memref<1x80x128xf32, #tpu.memory_space<vmem>>
          %dma_wait3A_95 = tpu.memref_squeeze %dma_wait3A_94 : memref<1x80x128xf32, #tpu.memory_space<vmem>> -> memref<80x128xf32, #tpu.memory_space<vmem>>
          %dma_wait3A_96 = arith.constant 0 : i32
          %dma_wait3A_97 = tpu.memref_slice %arg8[%rem3A_87, %dma_wait3A_96] : memref<8x80xi32, #tpu.memory_space<vmem>> -> memref<1x80xi32, #tpu.memory_space<vmem>>
          %dma_wait3A_98 = tpu.memref_squeeze %dma_wait3A_97 : memref<1x80xi32, #tpu.memory_space<vmem>> -> memref<80xi32, #tpu.memory_space<vmem>>
          %dma_wait3A_99 = arith.constant 0 : i32
          %dma_wait3A_100 = arith.constant 0 : i32
          %dma_wait3A_101 = tpu.memref_slice %arg10[%dma_wait3A_99, %dma_wait3A_100] : memref<10000x128xf32, #tpu.memory_space<vmem_shared>> -> memref<10000x128xf32, #tpu.memory_space<vmem_shared>>
          tpu.wait_indirect_dma semaphore(%arg13 : memref<!tpu.dma_semaphore, #tpu.memory_space<semaphore_mem>>) src(%dma_wait3A_95 : memref<80x128xf32, #tpu.memory_space<vmem>>) dst(%dma_wait3A_101 : memref<10000x128xf32, #tpu.memory_space<vmem_shared>>)
        } else {
        }
        %rem3A_68 = arith.constant 8 : i32
        %rem3A_69 = arith.remsi %add3A_40, %rem3A_68 : i32
        %dma_start3A = arith.constant 0 : i32
        %dma_start3A_70 = arith.constant 0 : i32
        %dma_start3A_71 = tpu.memref_slice %arg9[%rem3A_44, %dma_start3A, %dma_start3A_70] : memref<4x80x128xf32, #tpu.memory_space<vmem>> -> memref<1x80x128xf32, #tpu.memory_space<vmem>>
        %dma_start3A_72 = tpu.memref_squeeze %dma_start3A_71 : memref<1x80x128xf32, #tpu.memory_space<vmem>> -> memref<80x128xf32, #tpu.memory_space<vmem>>
        %dma_start3A_73 = arith.constant 0 : i32
        %dma_start3A_74 = tpu.memref_slice %arg8[%rem3A_69, %dma_start3A_73] : memref<8x80xi32, #tpu.memory_space<vmem>> -> memref<1x80xi32, #tpu.memory_space<vmem>>
        %dma_start3A_75 = tpu.memref_squeeze %dma_start3A_74 : memref<1x80xi32, #tpu.memory_space<vmem>> -> memref<80xi32, #tpu.memory_space<vmem>>
        %dma_start3A_76 = arith.constant 0 : i32
        %dma_start3A_77 = arith.constant 0 : i32
        %dma_start3A_78 = tpu.memref_slice %arg10[%dma_start3A_76, %dma_start3A_77] : memref<10000x128xf32, #tpu.memory_space<vmem_shared>> -> memref<10000x128xf32, #tpu.memory_space<vmem_shared>>
        tpu.enqueue_indirect_dma source(%dma_start3A_72 : memref<80x128xf32, #tpu.memory_space<vmem>>) target(%dma_start3A_78 : memref<10000x128xf32, #tpu.memory_space<vmem_shared>>) offsets(%dma_start3A_75 : memref<80xi32, #tpu.memory_space<vmem>>) semaphore(%arg13 : memref<!tpu.dma_semaphore, #tpu.memory_space<semaphore_mem>>) {add = true}
        %add3A_79 = arith.constant 3 : i32
        %add3A_80 = arith.addi %add3A_40, %add3A_79 : i32
        %lt3A_81 = arith.cmpi slt, %add3A_80, %select_n3A_2 : i32
        %convert_element_type3A_82 = arith.extui %lt3A_81 : i1 to i32
        %cond3A_83 = arith.constant 0 : i32
        %cond3A_84 = arith.cmpi ne, %convert_element_type3A_82, %cond3A_83 : i32
        scf.if %cond3A_84 {
          %add3A_85 = arith.constant 3 : i32
          %add3A_86 = arith.addi %add3A_40, %add3A_85 : i32
          %rem3A_87 = arith.constant 8 : i32
          %rem3A_88 = arith.remsi %add3A_86, %rem3A_87 : i32
          %add3A_89 = arith.constant 3 : i32
          %add3A_90 = arith.addi %add3A_40, %add3A_89 : i32
          %add3A_91 = arith.addi %select_n3A_9, %add3A_90 : i32
          %dma_wait3A_92 = arith.constant 0 : i32
          %dma_wait3A_93 = tpu.memref_slice %arg7[%rem3A_88, %dma_wait3A_92] : memref<8x80xi32, #tpu.memory_space<vmem>> -> memref<1x80xi32, #tpu.memory_space<vmem>>
          %dma_wait3A_94 = tpu.memref_squeeze %dma_wait3A_93 : memref<1x80xi32, #tpu.memory_space<vmem>> -> memref<80xi32, #tpu.memory_space<vmem>>
          %dma_wait3A_95 = arith.constant 0 : i32
          %dma_wait3A_96 = tpu.memref_slice %arg3[%add3A_91, %dma_wait3A_95] : memref<4000x80xi32, #tpu.memory_space<hbm>> -> memref<1x80xi32, #tpu.memory_space<hbm>>
          %dma_wait3A_97 = tpu.memref_squeeze %dma_wait3A_96 : memref<1x80xi32, #tpu.memory_space<hbm>> -> memref<80xi32, #tpu.memory_space<hbm>>
          %dma_wait3A_98 = arith.constant 0 : i32
          %dma_wait3A_99 = tpu.memref_slice %arg7[%rem3A_88, %dma_wait3A_98] : memref<8x80xi32, #tpu.memory_space<vmem>> -> memref<1x80xi32, #tpu.memory_space<vmem>>
          %dma_wait3A_100 = tpu.memref_squeeze %dma_wait3A_99 : memref<1x80xi32, #tpu.memory_space<vmem>> -> memref<80xi32, #tpu.memory_space<vmem>>
          %dma_wait3A_101 = arith.constant 0 : i32
          %dma_wait3A_102 = tpu.memref_slice %arg3[%add3A_91, %dma_wait3A_101] : memref<4000x80xi32, #tpu.memory_space<hbm>> -> memref<1x80xi32, #tpu.memory_space<hbm>>
          %dma_wait3A_103 = tpu.memref_squeeze %dma_wait3A_102 : memref<1x80xi32, #tpu.memory_space<hbm>> -> memref<80xi32, #tpu.memory_space<hbm>>
          tpu.wait_dma2 semaphore(%arg11 : memref<!tpu.dma_semaphore, #tpu.memory_space<semaphore_mem>>) src(%dma_wait3A_103 : memref<80xi32, #tpu.memory_space<hbm>>) dst(%dma_wait3A_100 : memref<80xi32, #tpu.memory_space<vmem>>)
          %add3A_104 = arith.addi %select_n3A_9, %add3A_90 : i32
          %dma_wait3A_105 = arith.constant 0 : i32
          %dma_wait3A_106 = tpu.memref_slice %arg8[%rem3A_88, %dma_wait3A_105] : memref<8x80xi32, #tpu.memory_space<vmem>> -> memref<1x80xi32, #tpu.memory_space<vmem>>
          %dma_wait3A_107 = tpu.memref_squeeze %dma_wait3A_106 : memref<1x80xi32, #tpu.memory_space<vmem>> -> memref<80xi32, #tpu.memory_space<vmem>>
          %dma_wait3A_108 = arith.constant 0 : i32
          %dma_wait3A_109 = tpu.memref_slice %arg4[%add3A_104, %dma_wait3A_108] : memref<4000x80xi32, #tpu.memory_space<hbm>> -> memref<1x80xi32, #tpu.memory_space<hbm>>
          %dma_wait3A_110 = tpu.memref_squeeze %dma_wait3A_109 : memref<1x80xi32, #tpu.memory_space<hbm>> -> memref<80xi32, #tpu.memory_space<hbm>>
          %dma_wait3A_111 = arith.constant 0 : i32
          %dma_wait3A_112 = tpu.memref_slice %arg8[%rem3A_88, %dma_wait3A_111] : memref<8x80xi32, #tpu.memory_space<vmem>> -> memref<1x80xi32, #tpu.memory_space<vmem>>
          %dma_wait3A_113 = tpu.memref_squeeze %dma_wait3A_112 : memref<1x80xi32, #tpu.memory_space<vmem>> -> memref<80xi32, #tpu.memory_space<vmem>>
          %dma_wait3A_114 = arith.constant 0 : i32
          %dma_wait3A_115 = tpu.memref_slice %arg4[%add3A_104, %dma_wait3A_114] : memref<4000x80xi32, #tpu.memory_space<hbm>> -> memref<1x80xi32, #tpu.memory_space<hbm>>
          %dma_wait3A_116 = tpu.memref_squeeze %dma_wait3A_115 : memref<1x80xi32, #tpu.memory_space<hbm>> -> memref<80xi32, #tpu.memory_space<hbm>>
          tpu.wait_dma2 semaphore(%arg11 : memref<!tpu.dma_semaphore, #tpu.memory_space<semaphore_mem>>) src(%dma_wait3A_116 : memref<80xi32, #tpu.memory_space<hbm>>) dst(%dma_wait3A_113 : memref<80xi32, #tpu.memory_space<vmem>>)
          %add3A_117 = arith.constant 3 : i32
          %add3A_118 = arith.addi %add3A_40, %add3A_117 : i32
          %rem3A_119 = arith.constant 4 : i32
          %rem3A_120 = arith.remsi %add3A_118, %rem3A_119 : i32
          %dma_start3A_121 = arith.constant 0 : i32
          %dma_start3A_122 = arith.constant 0 : i32
          %dma_start3A_123 = tpu.memref_slice %arg9[%rem3A_120, %dma_start3A_121, %dma_start3A_122] : memref<4x80x128xf32, #tpu.memory_space<vmem>> -> memref<1x80x128xf32, #tpu.memory_space<vmem>>
          %dma_start3A_124 = tpu.memref_squeeze %dma_start3A_123 : memref<1x80x128xf32, #tpu.memory_space<vmem>> -> memref<80x128xf32, #tpu.memory_space<vmem>>
          %dma_start3A_125 = arith.constant 0 : i32
          %dma_start3A_126 = tpu.memref_slice %arg7[%rem3A_88, %dma_start3A_125] : memref<8x80xi32, #tpu.memory_space<vmem>> -> memref<1x80xi32, #tpu.memory_space<vmem>>
          %dma_start3A_127 = tpu.memref_squeeze %dma_start3A_126 : memref<1x80xi32, #tpu.memory_space<vmem>> -> memref<80xi32, #tpu.memory_space<vmem>>
          %dma_start3A_128 = arith.constant 0 : i32
          %dma_start3A_129 = arith.constant 0 : i32
          %dma_start3A_130 = tpu.memref_slice %arg2[%dma_start3A_128, %dma_start3A_129] : memref<10000x128xf32, #tpu.memory_space<hbm>> -> memref<10000x128xf32, #tpu.memory_space<hbm>>
          tpu.enqueue_indirect_dma source(%dma_start3A_130 : memref<10000x128xf32, #tpu.memory_space<hbm>>) target(%dma_start3A_124 : memref<80x128xf32, #tpu.memory_space<vmem>>) offsets(%dma_start3A_127 : memref<80xi32, #tpu.memory_space<vmem>>) semaphore(%arg12 : memref<!tpu.dma_semaphore, #tpu.memory_space<semaphore_mem>>)
        } else {
        }
      } else {
      }
    }
    %scan3A_26 = arith.constant 127 : i32
    %eq3A_27 = arith.constant 0 : i32
    %eq3A_28 = arith.cmpi eq, %arg0, %eq3A_27 : i32
    %convert_element_type3A = arith.extui %eq3A_28 : i1 to i32
    %cond3A = arith.constant 0 : i32
    %cond3A_29 = arith.cmpi ne, %convert_element_type3A, %cond3A : i32
    scf.if %cond3A_29 {
      %rem3A = arith.constant 126 : i32
      %rem3A_36 = arith.constant 8 : i32
      %rem3A_37 = arith.remsi %rem3A, %rem3A_36 : i32
      %dma_wait3A = arith.constant 2 : i32
      %dma_wait3A_38 = arith.constant 0 : i32
      %dma_wait3A_39 = arith.constant 0 : i32
      %dma_wait3A_40 = tpu.memref_slice %arg9[%dma_wait3A, %dma_wait3A_38, %dma_wait3A_39] : memref<4x80x128xf32, #tpu.memory_space<vmem>> -> memref<1x80x128xf32, #tpu.memory_space<vmem>>
      %dma_wait3A_41 = tpu.memref_squeeze %dma_wait3A_40 : memref<1x80x128xf32, #tpu.memory_space<vmem>> -> memref<80x128xf32, #tpu.memory_space<vmem>>
      %dma_wait3A_42 = arith.constant 0 : i32
      %dma_wait3A_43 = tpu.memref_slice %arg8[%rem3A_37, %dma_wait3A_42] : memref<8x80xi32, #tpu.memory_space<vmem>> -> memref<1x80xi32, #tpu.memory_space<vmem>>
      %dma_wait3A_44 = tpu.memref_squeeze %dma_wait3A_43 : memref<1x80xi32, #tpu.memory_space<vmem>> -> memref<80xi32, #tpu.memory_space<vmem>>
      %dma_wait3A_45 = arith.constant 0 : i32
      %dma_wait3A_46 = arith.constant 0 : i32
      %dma_wait3A_47 = tpu.memref_slice %arg10[%dma_wait3A_45, %dma_wait3A_46] : memref<10000x128xf32, #tpu.memory_space<vmem_shared>> -> memref<10000x128xf32, #tpu.memory_space<vmem_shared>>
      tpu.wait_indirect_dma semaphore(%arg13 : memref<!tpu.dma_semaphore, #tpu.memory_space<semaphore_mem>>) src(%dma_wait3A_41 : memref<80x128xf32, #tpu.memory_space<vmem>>) dst(%dma_wait3A_47 : memref<10000x128xf32, #tpu.memory_space<vmem_shared>>)
    } else {
    }
    %eq3A_30 = arith.constant 1 : i32
    %eq3A_31 = arith.cmpi eq, %arg0, %eq3A_30 : i32
    %convert_element_type3A_32 = arith.extui %eq3A_31 : i1 to i32
    %cond3A_33 = arith.constant 0 : i32
    %cond3A_34 = arith.cmpi ne, %convert_element_type3A_32, %cond3A_33 : i32
    scf.if %cond3A_34 {
      %rem3A = arith.constant 122 : i32
      %rem3A_36 = arith.constant 8 : i32
      %rem3A_37 = arith.remsi %rem3A, %rem3A_36 : i32
      %dma_wait3A = arith.constant 2 : i32
      %dma_wait3A_38 = arith.constant 0 : i32
      %dma_wait3A_39 = arith.constant 0 : i32
      %dma_wait3A_40 = tpu.memref_slice %arg9[%dma_wait3A, %dma_wait3A_38, %dma_wait3A_39] : memref<4x80x128xf32, #tpu.memory_space<vmem>> -> memref<1x80x128xf32, #tpu.memory_space<vmem>>
      %dma_wait3A_41 = tpu.memref_squeeze %dma_wait3A_40 : memref<1x80x128xf32, #tpu.memory_space<vmem>> -> memref<80x128xf32, #tpu.memory_space<vmem>>
      %dma_wait3A_42 = arith.constant 0 : i32
      %dma_wait3A_43 = tpu.memref_slice %arg8[%rem3A_37, %dma_wait3A_42] : memref<8x80xi32, #tpu.memory_space<vmem>> -> memref<1x80xi32, #tpu.memory_space<vmem>>
      %dma_wait3A_44 = tpu.memref_squeeze %dma_wait3A_43 : memref<1x80xi32, #tpu.memory_space<vmem>> -> memref<80xi32, #tpu.memory_space<vmem>>
      %dma_wait3A_45 = arith.constant 0 : i32
      %dma_wait3A_46 = arith.constant 0 : i32
      %dma_wait3A_47 = tpu.memref_slice %arg10[%dma_wait3A_45, %dma_wait3A_46] : memref<10000x128xf32, #tpu.memory_space<vmem_shared>> -> memref<10000x128xf32, #tpu.memory_space<vmem_shared>>
      tpu.wait_indirect_dma semaphore(%arg13 : memref<!tpu.dma_semaphore, #tpu.memory_space<semaphore_mem>>) src(%dma_wait3A_41 : memref<80x128xf32, #tpu.memory_space<vmem>>) dst(%dma_wait3A_47 : memref<10000x128xf32, #tpu.memory_space<vmem_shared>>)
    } else {
    }
    %barrier3A_35 = arith.constant 0 : index
    tpu.barrier barrier_id(%barrier3A_35)
    "tpu.region"() ({
      %run_scoped3A = tpu.sem_alloc : memref<!tpu.dma_semaphore, #tpu.memory_space<semaphore_mem>>
      %dma_start3A = arith.constant 0 : i32
      %dma_start3A_36 = tpu.memref_slice %arg6[%arg0, %min3A_21, %dma_start3A] : memref<2x10000x128xf32, #tpu.memory_space<hbm>> -> memref<1x632x128xf32, #tpu.memory_space<hbm>>
      %dma_start3A_37 = tpu.memref_squeeze %dma_start3A_36 : memref<1x632x128xf32, #tpu.memory_space<hbm>> -> memref<632x128xf32, #tpu.memory_space<hbm>>
      %dma_start3A_38 = arith.constant 0 : i32
      %dma_start3A_39 = tpu.memref_slice %arg10[%min3A_21, %dma_start3A_38] : memref<10000x128xf32, #tpu.memory_space<vmem_shared>> -> memref<632x128xf32, #tpu.memory_space<vmem_shared>>
      tpu.enqueue_dma source(%dma_start3A_39 : memref<632x128xf32, #tpu.memory_space<vmem_shared>>) target(%dma_start3A_37 : memref<632x128xf32, #tpu.memory_space<hbm>>) target_semaphore(%run_scoped3A : memref<!tpu.dma_semaphore, #tpu.memory_space<semaphore_mem>>)
      %dma_wait3A = arith.constant 0 : i32
      %dma_wait3A_40 = tpu.memref_slice %arg6[%arg0, %min3A_21, %dma_wait3A] : memref<2x10000x128xf32, #tpu.memory_space<hbm>> -> memref<1x632x128xf32, #tpu.memory_space<hbm>>
      %dma_wait3A_41 = tpu.memref_squeeze %dma_wait3A_40 : memref<1x632x128xf32, #tpu.memory_space<hbm>> -> memref<632x128xf32, #tpu.memory_space<hbm>>
      %dma_wait3A_42 = arith.constant 0 : i32
      %dma_wait3A_43 = tpu.memref_slice %arg10[%min3A_21, %dma_wait3A_42] : memref<10000x128xf32, #tpu.memory_space<vmem_shared>> -> memref<632x128xf32, #tpu.memory_space<vmem_shared>>
      tpu.wait_dma2 semaphore(%run_scoped3A : memref<!tpu.dma_semaphore, #tpu.memory_space<semaphore_mem>>) src(%dma_wait3A_43 : memref<632x128xf32, #tpu.memory_space<vmem_shared>>) dst(%dma_wait3A_41 : memref<632x128xf32, #tpu.memory_space<hbm>>)
      tpu.yield
    }) : () -> ()
    return
  }
}

module attributes {stable_mosaic.version = 14 : i64} {
  func.func @_msg_kernel(%arg0: memref<10000x128xf32, #tpu.memory_space<vmem>>, %arg1: memref<128x128xf32, #tpu.memory_space<vmem>>, %arg2: memref<1x128xf32, #tpu.memory_space<vmem>>, %arg3: memref<10000x128xf32, #tpu.memory_space<vmem>>) attributes {dimension_semantics = [], scalar_prefetch = 0 : i64, scratch_operands = 0 : i64, tpu.core_type = #tpu.core_type<tc>} {
    %get3A = arith.constant 0 : index
    %get3A_0 = arith.constant 0 : index
    %get3A_1 = vector.load %arg0[%get3A, %get3A_0] : memref<10000x128xf32, #tpu.memory_space<vmem>>, vector<10000x128xf32>
    %get3A_2 = arith.constant 0 : index
    %get3A_3 = arith.constant 0 : index
    %get3A_4 = vector.load %arg1[%get3A_2, %get3A_3] : memref<128x128xf32, #tpu.memory_space<vmem>>, vector<128x128xf32>
    %dot_general3A = arith.constant dense<0.000000e+00> : vector<10000x128xf32>
    %dot_general3A_5 = tpu.matmul %get3A_1, %get3A_4, %dot_general3A {dimension_numbers = #tpu.dot_dimension_numbers<[1], [0], [0], [1], [0, 0, 1, 1], [], []>, transpose_lhs_hint = false} : vector<10000x128xf32>, vector<128x128xf32>, vector<10000x128xf32> -> vector<10000x128xf32>
    %get3A_6 = arith.constant 0 : index
    %get3A_7 = arith.constant 0 : index
    %get3A_8 = vector.load %arg2[%get3A_6, %get3A_7] : memref<1x128xf32, #tpu.memory_space<vmem>>, vector<1x128xf32>
    %add3A = vector.broadcast %get3A_8 : vector<1x128xf32> to vector<10000x128xf32>
    %add3A_9 = arith.addf %dot_general3A_5, %add3A : vector<10000x128xf32>
    %max3A = arith.constant 0.000000e+00 : f32
    %max3A_10 = vector.broadcast %max3A : f32 to vector<10000x128xf32>
    %max3A_11 = arith.maximumf %add3A_9, %max3A_10 : vector<10000x128xf32>
    %swap3A = arith.constant 0 : index
    %swap3A_12 = arith.constant 0 : index
    %swap3A_13 = vector.load %arg3[%swap3A, %swap3A_12] : memref<10000x128xf32, #tpu.memory_space<vmem>>, vector<10000x128xf32>
    tpu.vector_store %arg3[%swap3A, %swap3A_12], %max3A_11 {strides = array<i32>} : memref<10000x128xf32, #tpu.memory_space<vmem>>, vector<10000x128xf32>,
    return
  }
}

module attributes {stable_mosaic.version = 14 : i64} {
  func.func @_out_kernel(%arg0: memref<2x10000x128xf32, #tpu.memory_space<vmem>>, %arg1: memref<128x128xf32, #tpu.memory_space<vmem>>, %arg2: memref<1x128xf32, #tpu.memory_space<vmem>>, %arg3: memref<10000x128xf32, #tpu.memory_space<vmem>>) attributes {dimension_semantics = [], scalar_prefetch = 0 : i64, scratch_operands = 0 : i64, tpu.core_type = #tpu.core_type<tc>} {
    %get3A = arith.constant 0 : index
    %get3A_0 = arith.constant 0 : index
    %get3A_1 = arith.constant 0 : index
    %get3A_2 = vector.load %arg0[%get3A, %get3A_0, %get3A_1] : memref<2x10000x128xf32, #tpu.memory_space<vmem>>, vector<1x10000x128xf32>
    %get3A_3 = vector.shape_cast %get3A_2 : vector<1x10000x128xf32> to vector<10000x128xf32>
    %get3A_4 = arith.constant 1 : index
    %get3A_5 = arith.constant 0 : index
    %get3A_6 = arith.constant 0 : index
    %get3A_7 = vector.load %arg0[%get3A_4, %get3A_5, %get3A_6] : memref<2x10000x128xf32, #tpu.memory_space<vmem>>, vector<1x10000x128xf32>
    %get3A_8 = vector.shape_cast %get3A_7 : vector<1x10000x128xf32> to vector<10000x128xf32>
    %add3A = arith.addf %get3A_3, %get3A_8 : vector<10000x128xf32>
    %get3A_9 = arith.constant 0 : index
    %get3A_10 = arith.constant 0 : index
    %get3A_11 = vector.load %arg1[%get3A_9, %get3A_10] : memref<128x128xf32, #tpu.memory_space<vmem>>, vector<128x128xf32>
    %dot_general3A = arith.constant dense<0.000000e+00> : vector<10000x128xf32>
    %dot_general3A_12 = tpu.matmul %add3A, %get3A_11, %dot_general3A {dimension_numbers = #tpu.dot_dimension_numbers<[1], [0], [0], [1], [0, 0, 1, 1], [], []>, transpose_lhs_hint = false} : vector<10000x128xf32>, vector<128x128xf32>, vector<10000x128xf32> -> vector<10000x128xf32>
    %get3A_13 = arith.constant 0 : index
    %get3A_14 = arith.constant 0 : index
    %get3A_15 = vector.load %arg2[%get3A_13, %get3A_14] : memref<1x128xf32, #tpu.memory_space<vmem>>, vector<1x128xf32>
    %add3A_16 = vector.broadcast %get3A_15 : vector<1x128xf32> to vector<10000x128xf32>
    %add3A_17 = arith.addf %dot_general3A_12, %add3A_16 : vector<10000x128xf32>
    %swap3A = arith.constant 0 : index
    %swap3A_18 = arith.constant 0 : index
    %swap3A_19 = vector.load %arg3[%swap3A, %swap3A_18] : memref<10000x128xf32, #tpu.memory_space<vmem>>, vector<10000x128xf32>
    tpu.vector_store %arg3[%swap3A, %swap3A_18], %add3A_17 {strides = array<i32>} : memref<10000x128xf32, #tpu.memory_space<vmem>>, vector<10000x128xf32>,
    return
  }
}

</mosaic_0001>

<sc_bundles>
// kernel: kernel.5.cloned.1.call-start
scs
__scs_entry_jumppad:
0x0: {  	(pc) =	sbr.rel $0x88, $3  }
0x1: {  	(tag) =	ssettag $0x0;
	lr =	simm.s32 $0x1  }
0x2: {  	[smem:$0x3F9B] =	sst lr;
	_ =	strace $0xD0000000  }
0x3: {  	_ = 	snop  }
0x4: {  	_ = 	snop  }
0x5: {  	_ = 	snop  }
0x6: {  	_ = 	snop  }
0x7: {  	_ = 	snop  }
__scs_overlays_trampoline_lowered:
0x8: {  	[smem:$0x3FAA] =	sst s0  }
0x9: {  	[smem:$0x3FAB] =	sst s1  }
0xa: {  	[smem:$0x3FAC] =	sst s2  }
0xb: {  	[smem:$0x3FAD] =	sst s3  }
0xc: {  	[smem:$0x3FAE] =	sst s4  }
0xd: {  	[smem:$0x3FAF] =	sst s5  }
0xe: {  	[smem:$0x3FB0] =	sst s6  }
0xf: {  	[smem:$0x3FB1] =	sst s7  }
0x10: {  	[smem:$0x3FB2] =	sst s8  }
0x11: {  	[smem:$0x3FB3] =	sst s9;
	s0 =	simm.s32 @!p0 $0x0  }
0x12: {  	s1 =	sld [smem:$0x3F99];
	s0 =	simm.s32 @p0 $0x1  }
0x13: {  	[smem:$0x3FB4] =	sst s0;
	s0 =	simm.s32 @!p1 $0x0  }
0x14: {  	s2 =	sld [smem:$0x3F98];
	s0 =	simm.s32 @p1 $0x1  }
0x15: {  	[smem:$0x3FB5] =	sst s0;
	s0 =	simm.s32 @!p2 $0x0  }
0x16: {  	s3 =	sld [smem:$0x3FDB];
	s0 =	simm.s32 @p2 $0x1  }
0x17: {  	s4 =	simm.s32 $0x1BF5;
	[smem:$0x3FB7] =	sst s0  }
0x18: {  	s0 =	sld [smem:$0x3F9A];
	_ =	swait.ge [sflag:s4], $0x0  }
0x19: {  	s7 =	sld [smem:$0x3F9B]  }
0x1a: {  	s8 =	sadd.s32 $0xFFFFE003, lr  }
0x1b: {  	s9 =	sadd.s32 $0xFFFFFEF7, lr;
	s5 =	simm.s32 $0xFFFFFFFF;
	p2 =	slt.u32 s8, $0xFFFFF086  }
0x1c: {  	p1 =	slt.u32 s9, $0xF7A;
	s5 =	simm.s32 @!p2 $0x0  }
0x1d: {  	s5 =	simm.s32 @p1 $0x1;
	p0 =	seq.s32 s7, s2  }
0x1e: {  	s7 =	smul.u32 @!p0 $0xF7A, s2;
	p2 =	seq.s32 @!p0 s5, $0x0  }
0x1f: {  	s9 =	smul.u32 $0xF7A, s1;
	s8 =	simm.s32 @!p0 $0x1BF5;
	p2 =	por !p2, p0  }
0x20: {  	[sflag:s8] =	ssyncset.s32 @!p0 $0xFFFFF086;
	s6 =	sadd.s32 @!p0 s3, s7;
	s7 =	simm.s32 @!p0 $0x108  }
0x21: {  	s3 =	sadd.s32 s3, s9;
	s6 =	sadd.s32 @!p0 $0x88, s6;
	s7 =	simm.s32 @p2 $0x1082  }
0x22: {  	[simem:s7], [sflag:s8] =	dma.local @!p0 [hbm:s6], $0xF7A  }
0x23: {  	s9 =	sor.u32 $0xD0000000, s2;
	s6 =	simm.s32 $0x108;
	_ =	swait.ge @!p0 [sflag:s8], $0x0  }
0x24: {  	s3 =	sadd.s32 $0x88, s3;
	s6 =	simm.s32 @!p1 $0x1082;
	[sflag:s4] =	ssyncset.s32 $0xFFFFF086  }
0x25: {  	[simem:s6], [sflag:s4] =	dma.local [hbm:s3], $0xF7A  }
0x26: {  	[smem:$0x3F9B] =	sst s1;
	(tag) =	ssettag s2;
	_ =	strace s9  }
0x27: {  	s1 =	sld [smem:$0x3FAB]  }
0x28: {  	s2 =	sld [smem:$0x3FAC]  }
0x29: {  	s4 =	sld [smem:$0x3FAE]  }
0x2a: {  	p0 =	seq.s32 s5, $0x0;
	s5 =	sld [smem:$0x3FAF]  }
0x2b: {  	s6 =	sld [smem:$0x3FB0]  }
0x2c: {  	s7 =	sld [smem:$0x3FB1]  }
0x2d: {  	s3 =	simm.s32 $0x108;
	s8 =	sld [smem:$0x3FB2]  }
0x2e: {  	s3 =	simm.s32 @!p0 $0x1082;
	s9 =	sld [smem:$0x3FB3]  }
0x2f: {  	lr =	sadd.s32 s0, s3;
	s0 =	sld [smem:$0x3FAA]  }
0x30: {  	s3 =	sld [smem:$0x3FAD]  }
0x31: {  	[smem:$0x3FB6] =	sst s10  }
0x32: {  	s10 =	sld [smem:$0x3FB4];
	_ =	sdelay $0x3  }
0x33: {  	p0 =	seq.s32 s10, $0x1;
	s10 =	sld [smem:$0x3FB6];
	_ =	sdelay $0x3  }
0x34: {  	[smem:$0x3FB6] =	sst s10  }
0x35: {  	s10 =	sld [smem:$0x3FB5];
	_ =	sdelay $0x3  }
0x36: {  	p1 =	seq.s32 s10, $0x1;
	s10 =	sld [smem:$0x3FB6];
	_ =	sdelay $0x3  }
0x37: {  	[smem:$0x3FB6] =	sst s10  }
0x38: {  	s10 =	sld [smem:$0x3FB7]  }
0x39: {  	_ = 	snop;
	(pc) =	sbr.ind lr, $3  }
0x3a: {  	_ = 	snop  }
0x3b: {  	_ = 	snop  }
0x3c: {  	p2 =	seq.s32 s10, $0x1;
	s10 =	sld [smem:$0x3FB6]  }
0x3d: {  	_ =	shalt  }
0x3e: {  	_ =	shalt  }
0x3f: {  	_ =	shalt  }
0x40: {  	_ =	shalt  }
0x41: {  	_ =	shalt  }
0x42: {  	_ =	shalt  }
0x43: {  	_ =	shalt  }
0x44: {  	_ =	shalt  }
0x45: {  	_ =	shalt  }
0x46: {  	_ =	shalt  }
0x47: {  	_ =	shalt  }
0x48: {  	_ =	shalt  }
0x49: {  	_ =	shalt  }
0x4a: {  	_ =	shalt  }
0x4b: {  	_ =	shalt  }
0x4c: {  	_ =	shalt  }
0x4d: {  	_ =	shalt  }
0x4e: {  	_ =	shalt  }
0x4f: {  	_ =	shalt  }
0x50: {  	_ =	shalt  }
0x51: {  	_ =	shalt  }
0x52: {  	_ =	shalt  }
0x53: {  	_ =	shalt  }
0x54: {  	_ =	shalt  }
0x55: {  	_ =	shalt  }
0x56: {  	_ =	shalt  }
0x57: {  	_ =	shalt  }
0x58: {  	_ =	shalt  }
0x59: {  	_ =	shalt  }
0x5a: {  	_ =	shalt  }
0x5b: {  	_ =	shalt  }
0x5c: {  	_ =	shalt  }
0x5d: {  	_ =	shalt  }
0x5e: {  	_ =	shalt  }
0x5f: {  	_ =	shalt  }
0x60: {  	_ =	shalt  }
0x61: {  	_ =	shalt  }
0x62: {  	_ =	shalt  }
0x63: {  	_ =	shalt  }
0x64: {  	_ =	shalt  }
0x65: {  	_ =	shalt  }
0x66: {  	_ =	shalt  }
0x67: {  	_ =	shalt  }
0x68: {  	_ =	shalt  }
0x69: {  	_ =	shalt  }
0x6a: {  	_ =	shalt  }
0x6b: {  	_ =	shalt  }
0x6c: {  	_ =	shalt  }
0x6d: {  	_ =	shalt  }
0x6e: {  	_ =	shalt  }
0x6f: {  	_ =	shalt  }
0x70: {  	_ =	shalt  }
0x71: {  	_ =	shalt  }
0x72: {  	_ =	shalt  }
0x73: {  	_ =	shalt  }
0x74: {  	_ =	shalt  }
0x75: {  	_ =	shalt  }
0x76: {  	_ =	shalt  }
0x77: {  	_ =	shalt  }
0x78: {  	_ =	shalt  }
0x79: {  	_ =	shalt  }
0x7a: {  	_ =	shalt  }
0x7b: {  	_ =	shalt  }
0x7c: {  	_ =	shalt  }
0x7d: {  	_ =	shalt  }
0x7e: {  	_ =	shalt  }
0x7f: {  	_ =	shalt  }
0x80: {  	_ =	shalt  }
0x81: {  	_ =	shalt  }
0x82: {  	_ =	shalt  }
0x83: {  	_ =	shalt  }
0x84: {  	_ =	shalt  }
0x85: {  	_ =	shalt  }
0x86: {  	_ =	shalt  }
0x87: {  	_ =	shalt  }
.Lfunc_end0:
.L_simem_size_0:
called_computation_lowered:
.L_overlay_start_0:
0x88: {  	s2 =	sld [smem:$0x3FD9]  }
0x89: {  	s3 =	sld [smem:$0x3FFE];
	_ =	sdelay $0x1  }
0x8a: {  	s1 =	srdreg.scid  }
0x8b: {  	s0 =	sand.u32 $0x1, s1  }
0x8c: {  	s17 =	sshll.u32 s0, $0xA;
	s2 =	sadd.s32 s3, s2  }
0x8d: {  	s2 =	sadd.s32 s2, s17  }
0x8e: {  	[smem:$0x3FC2] =	sst s2  }
0x8f: {  	_ = 	snop  }
0x90: {  	s2 =	sld [smem:$0x3FD0];
	(tm) =	ssettm $0x1  }
0x91: {  	s18 =	sld [smem:$0x3FFB];
	_ =	sdelay $0x3  }
0x92: {  	_ =	strace s18  }
0x93: {  	s3 =	sld [smem:$0x3FFC];
	_ =	sdelay $0x3  }
0x94: {  	_ =	strace s3  }
0x95: {  	s3 =	sld [smem:$0x3FFD];
	_ =	sdelay $0x3  }
0x96: {  	_ =	strace s3  }
0x97: {  	_ =	strace $0x8FFFFFFF  }
0x98: {  	s19 =	sld [smem:$0x3FDB];
	_ =	sdelay $0x1  }
0x99: {  	s4 =	simm.s32 $_scs_section_size  }
0x9a: {  	s5 =	simm.s32 $_size__tile_overlayer_lowered;
	s6 =	simm.s32 $_tile_overlayer_lowered  }
0x9b: {  	s22 =	simm.s32 $0x1BFF;
	s21 =	sshll.u32 s6, $0x1;
	s3 =	sadd.s32 s4, s19  }
0x9c: {  	s7 =	simm.s32 $0x0;
	s20 =	sshll.u32 s5, $0x1;
	s5 =	sadd.s32 s21, s3  }
0x9d: {  	[timem:s7], [sflag:s22] =	dma.local [hbm:s5], s20  }
0x9e: {  	_ =	swait.ge [sflag:s22], s20  }
0x9f: {  	s4 =	ssub.s32 $0x0, s20;
	[sflag:s22] =	ssyncset.done $0x0  }
0xa0: {  	[sflag:s22] =	ssyncadd.s32 s4;
	_ =	sdelay $0x1  }
0xa1: {  	s23 =	simm.s32 $0x1B8B  }
0xa2: {  	_ =	swait.ge [sflag:s23], $0x1  }
0xa3: {  	[sflag:s23] =	ssyncset.done $0x0  }
0xa4: {  	s25 =	simm.s32 $0x1B8E;
	s24 =	sld [smem:$0x3FFE];
	[sflag:s23] =	ssyncadd.s32 $0xFFFFFFFF  }
0xa5: {  	s26 =	simm.s32 $execute0_lowered;
	[smem:$0x3FD2] =	sst s25  }
0xa6: {  	s5 =	sshll.u32 s26, $0x1;
	_ =	strace $0x80000046;
	[dreg:$0x1] =	wrdreg $0xFFFFFFFF  }
0xa7: {  	s28 =	simm.s32 $_size_execute0_lowered;
	s3 =	sadd.s32 s3, s5;
	[dreg:$0x0] =	wrdreg $0x0  }
0xa8: {  	s5 =	sshll.u32 s28, $0x1;
	[dreg:$0x2] =	wrdreg s3  }
0xa9: {  	[dreg:$0x3] =	wrdreg s5  }
0xaa: {  	[dreg:$0x4] =	wrdreg $0xC0  }
0xab: {  	_ =	task [dreg:s7], $0x5FFFF  }
0xac: {  	[dreg:$0x1] =	wrdreg $0xFFFFFFFF  }
0xad: {  	[dreg:$0x0] =	wrdreg $0x60  }
0xae: {  	[dreg:$0x2] =	wrdreg s2  }
0xaf: {  	[dreg:$0x3] =	wrdreg s24  }
0xb0: {  	[dreg:$0x4] =	wrdreg $0xA8000  }
0xb1: {  	[dreg:$0x5] =	wrdreg $0x9  }
0xb2: {  	_ =	task.clear_ibuf [dreg:s7], $0x6FFFF;
	_ =	strace $0x90000046  }
0xb3: {  	s29 =	simm.s32 $0x9;
	_ =	strace $0x80000048  }
0xb4: {  	_ =	swait.ge [sflag:s29], $0x1  }
0xb5: {  	[sflag:s29] =	ssyncadd.s32 $0xFFFFFFFF  }
0xb6: {  	_ =	strace $0x90000048  }
0xb7: {  	_ =	sfence  }
0xb8: {  	s30 =	sld [smem:$0x0];
	_ =	sdelay $0x2  }
0xb9: {  	s31 =	sshll.u32 s1, $0xD;
	s1 =	sshrl.u32 s1, $0x2  }
0xba: {  	s3 =	sand.u32 $0x4000, s31;
	s1 =	sadd.s32 s1, s30  }
0xbb: {  	s0 =	sor.u32 s3, s0;
	s1 =	sshll.u32 s1, $0x11  }
0xbc: {  	s0 =	sor.u32 s1, s0  }
0xbd: {  	s0 =	sadd.s32 $0x8F2B, s0  }
0xbe: {  	[sflag:s0] =	ssyncadd.remote.s32 $0x1  }
0xbf: {  	_ =	sfence.sel $0xFFFF  }
0xc0: {  	[dreg:$0x0] =	wrdreg $0xFFFFFFFF;
	(pc) =	sbr.abs _section_cstart, $3  }
0xc1: {  	[dreg:$0x1] =	wrdreg $0xFFFFFFFF  }
0xc2: {  	_ =	task.clear_ibuf [dreg:s7], $0x2FFFF;
	_ =	strace $0x9FFFFFFF  }
0xc3: {  	(tm) =	ssettm $0x7FFFFFFF  }
tec
execute0_lowered:
.L_overlay_start_1:
0x0: {  	(tag) =	ssettag $0x1  }
0x1: {  	s1 =	rddreg [dreg:$0x0]  }
0x2: {  	s0 =	rddreg [dreg:$0x1]  }
0x3: {  	s3 =	rddreg [dreg:$0x2]  }
0x4: {  	s4 =	simm.s32 $0x0;
	s12 =	stileid.u32;
	s5 =	srdreg.scid  }
0x5: {  	s28 =	simm.s32 $0x180;
	s30 =	simm.s32 $0x1;
	s31 =	simm.s32 $0x50  }
0x6: {  	s29 =	simm.s32 $0x0;
	[smem:$0x7FF] =	sst s4;
	s2 =	smul.u32 $0x278, s12  }
0x7: {  	s5 =	sand.u32 $0x1, s5;
	s7 =	sadd.s32 $0x10400, s0;
	s11 =	smul.u32 $0x7B, s12  }
0x8: {  	s9 =	sadd.s32 $0xA00, s0;
	s12 =	smul.u32 $0x7F, s12;
	_ =	strace $0x80000047  }
0x9: {  	s6 =	smul.u32 $0x138800, s5;
	s10 =	ssub.s32 $0x2, s5;
	p0 =	seq.s32 s5, $0x0  }
0xa: {  	s5 =	simm.s32 $0x7F;
	s2 =	smin.u32 s2, $0x2498;
	s26 =	sshrl.u32 s10, $0x1  }
0xb: {  	s11 =	sadd.s32 $0x7F0, s11;
	s5 =	simm.s32 @!p0 $0x7B;
	s8 =	sshll.u32 s2, $0x4  }
0xc: {  	s2 =	sshll.u32 s2, $0x7;
	s11 =	smov.u32 @p0 s12;
	s8 =	sadd.s32 s8, s0  }
0xd: {  	s6 =	sadd.s32 s6, s2;
	s2 =	sadd.s32 s2, s3;
	s14 =	sshll.u32 s11, $0x4  }
0xe: {  	s6 =	sshrl.u32 s6, $0x3;
	[dreg:$0x4] =	wrdreg s2;
	s13 =	sadd.s32 $0x1FE00, s8  }
0xf: {  	s16 =	sadd.s32 s7, s14;
	s17 =	sadd.s32 s9, s14;
	s18 =	sadd.s32 $0x10, s14  }
0x10: {  	s19 =	sadd.s32 $0x20, s14;
	[dreg:$0x5] =	wrdreg s13;
	s20 =	sadd.s32 s7, s18  }
0x11: {  	s23 =	sadd.s32 $0x30, s14;
	s21 =	sadd.s32 s7, s19;
	[dreg:$0x8] =	wrdreg s20  }
0x12: {  	s2 =	sadd.s32 $0x40, s14;
	s22 =	sadd.s32 s9, s19;
	[dreg:$0xa] =	wrdreg s21  }
0x13: {  	s0 =	sadd.s32 s6, s0;
	s24 =	sadd.s32 s7, s23;
	[dreg:$0xb] =	wrdreg s22  }
0x14: {  	s6 =	ssub.s32 s10, s26;
	s25 =	sadd.s32 s7, s2;
	[dreg:$0xc] =	wrdreg s24  }
0x15: {  	s26 =	sadd.s32 s9, s2;
	s19 =	smov.u32 s16;
	[dreg:$0xe] =	wrdreg s25  }
0x16: {  	s0 =	sadd.s32 $0x47000, s0;
	s15 =	smax.u32 s6, $0x1;
	[dreg:$0xf] =	wrdreg s26  }
0x17: {  	s20 =	sadd.s32 $0x50, s16;
	s25 =	smov.u32 s17;
	[dreg:$0x6] =	wrdreg s0  }
0x18: {  	s21 =	sadd.s32 $0x50, s17;
	[dreg:$0x7] =	wrdreg s15;
	s0 =	sadd.s32 s9, s18  }
0x19: {  	s24 =	simm.s32 $0x4;
	[dreg:$0x9] =	wrdreg s0;
	s0 =	sadd.s32 s9, s23  }
0x1a: {  	s26 =	simm.s32 $0x3;
	[dreg:$0xd] =	wrdreg s0;
	s0 =	simm.s32 $0x2  }
.LBB2_1:
0x1b: {  	[tilespmem:s4], [sflag:$0x1] =	stream.linear.gather [hbm4b:s19+s4], $0x80, $0x38;
	[tilespmem:$0x1E080] =	vst v63  }
0x1c: {  	s9 =	simm.s32 $0x400  }
0x1d: {  	[tilespmem:s9], [sflag:$0x1] =	stream.linear.gather [hbm4b:s25+s4], $0x80, $0x38;
	[tilespmem:$0x1E080] =	vst v63  }
0x1e: {  	s2 =	rddreg [dreg:$0x8];
	s6 =	simm.s32 $0x80  }
0x1f: {  	[tilespmem:s6], [sflag:$0x1] =	stream.linear.gather [hbm4b:s2+s4], $0x80, $0x38;
	[tilespmem:$0x1E080] =	vst v63  }
0x20: {  	s17 =	rddreg [dreg:$0x9];
	s7 =	simm.s32 $0x480  }
0x21: {  	[tilespmem:s7], [sflag:$0x1] =	stream.linear.gather [hbm4b:s17+s4], $0x80, $0x38;
	[tilespmem:$0x1E080] =	vst v63  }
0x22: {  	s18 =	rddreg [dreg:$0xa];
	s22 =	simm.s32 $0x100  }
0x23: {  	[tilespmem:s22], [sflag:$0x1] =	stream.linear.gather [hbm4b:s18+s4], $0x80, $0x38;
	[tilespmem:$0x1E080] =	vst v63  }
0x24: {  	s23 =	rddreg [dreg:$0xb];
	s8 =	simm.s32 $0x500  }
0x25: {  	[tilespmem:s8], [sflag:$0x1] =	stream.linear.gather [hbm4b:s23+s4], $0x80, $0x38;
	[tilespmem:$0x1E080] =	vst v63  }
0x26: {  	s8 =	rddreg [dreg:$0xc]  }
0x27: {  	[tilespmem:s28], [sflag:$0x1] =	stream.linear.gather [hbm4b:s8+s4], $0x80, $0x38;
	[tilespmem:$0x1E080] =	vst v63  }
0x28: {  	s10 =	rddreg [dreg:$0xd];
	s11 =	simm.s32 $0x580  }
0x29: {  	[tilespmem:s11], [sflag:$0x1] =	stream.linear.gather [hbm4b:s10+s4], $0x80, $0x38;
	[tilespmem:$0x1E080] =	vst v63  }
0x2a: {  	_ =	swait.ge [sflag:s30], $0x80  }
0x2b: {  	[sflag:s30] =	ssyncset.done $0x0  }
0x2c: {  	[sflag:s30] =	ssyncadd.s32 $0xFFFFFF80  }
0x2d: {  	_ =	swait.ge [sflag:s30], $0x80  }
0x2e: {  	[sflag:s30] =	ssyncset.done $0x0  }
0x2f: {  	s8 =	simm.s32 $0x800;
	[sflag:s30] =	ssyncadd.s32 $0xFFFFFF80  }
0x30: {  	[tilespmem:s8], [sflag:$0x2] =	stream.indirect.gather [hbm4b:s1+s31], $0x80, s4, s31, $0xb8;
	[tilespmem:$0x1E080] =	vst v63  }
0x31: {  	_ =	swait.ge [sflag:s30], $0x80  }
0x32: {  	[sflag:s30] =	ssyncset.done $0x0  }
0x33: {  	[sflag:s30] =	ssyncadd.s32 $0xFFFFFF80  }
0x34: {  	_ =	swait.ge [sflag:s30], $0x80  }
0x35: {  	[sflag:s30] =	ssyncset.done $0x0  }
0x36: {  	s12 =	simm.s32 $0x3000;
	[sflag:s30] =	ssyncadd.s32 $0xFFFFFF80  }
0x37: {  	[tilespmem:s12], [sflag:$0x2] =	stream.indirect.gather [hbm4b:s1+s31], $0x80, s6, s31, $0xb8;
	[tilespmem:$0x1E080] =	vst v63  }
0x38: {  	_ =	swait.ge [sflag:s30], $0x80  }
0x39: {  	[sflag:s30] =	ssyncset.done $0x0  }
0x3a: {  	s14 =	stileid.u32;
	[sflag:s30] =	ssyncadd.s32 $0xFFFFFF80  }
0x3b: {  	s13 =	simm.s32 $0x5800;
	s2 =	sshll.u32 s14, $0x6;
	_ =	swait.ge [sflag:s30], $0x80  }
0x3c: {  	s2 =	sor.u32 $0x1C04, s2;
	[sflag:s30] =	ssyncset.done $0x0;
	s15 =	rddreg [dreg:$0x4]  }
0x3d: {  	s16 =	rddreg [dreg:$0x5];
	[sflag:s30] =	ssyncadd.s32 $0xFFFFFF80;
	s6 =	sshrl.u32 s15, $0x3  }
0x3e: {  	[tilespmem:s13], [sflag:$0x2] =	stream.indirect.gather [hbm4b:s1+s31], $0x80, s22, s31, $0xb8;
	[tilespmem:$0x1E080] =	vst v63  }
0x3f: {  	[spmem:s6], [sflag:s2] =	dma.local [hbm:s16], $0x2780  }
0x40: {  	_ =	swait.ge [sflag:s24], $0x2780  }
0x41: {  	[sflag:s24] =	ssyncset.done $0x0  }
0x42: {  	[sflag:s24] =	ssyncadd.s32 $0xFFFFD880  }
0x43: {  	[bflag:$0x0] =	sbarrier.arrive $0xFFFF  }
0x44: {  	s10 =	simm.s32 $0x200;
	s17 =	rddreg [dreg:$0xe]  }
0x45: {  	[tilespmem:s10], [sflag:$0x1] =	stream.linear.gather [hbm4b:s17+s4], $0x80, $0x38;
	[tilespmem:$0x1E080] =	vst v63  }
0x46: {  	s22 =	simm.s32 $0x600;
	s18 =	rddreg [dreg:$0xf]  }
0x47: {  	[tilespmem:s22], [sflag:$0x1] =	stream.linear.gather [hbm4b:s18+s4], $0x80, $0x38;
	[tilespmem:$0x1E080] =	vst v63  }
0x48: {  	_ =	swait.ge [sflag:s0], $0x2800  }
0x49: {  	[sflag:s0] =	ssyncset.done $0x0  }
0x4a: {  	[sflag:s0] =	ssyncadd.s32 $0xFFFFD800  }
0x4b: {  	[spmem:s3] =	stream.indirect.scatter.add.f32 [tilespmem:s8], [sflag:$0x3], $0x80, s9, s31, $0xb8;
	[tilespmem:$0x1E080] =	vst v63  }
0x4c: {  	p1 =	sle.u32 s5, $0x1;
	s11 =	simm.s32 $0x1;
	_ =	swait.ge [sflag:s30], $0x80  }
0x4d: {  	p0 =	sle.u32 @!p1 s5, $0x5;
	s11 =	sand.u32 @!p1 $0x3, s11;
	[sflag:s30] =	ssyncset.done $0x0  }
0x4e: {  	p0 =	por p0, p1;
	s11 =	smul.u32 @!p1 $0xA000, s11;
	[sflag:s30] =	ssyncadd.s32 $0xFFFFFF80  }
0x4f: {  	s14 =	simm.s32 @!p0 $0x0;
	s7 =	simm.s32 $0x6;
	_ =	swait.ge [sflag:s30], $0x80  }
0x50: {  	s23 =	simm.s32 $0x8000;
	s11 =	sshrl.u32 @!p1 s11, $0x2;
	[sflag:s30] =	ssyncset.done $0x0  }
0x51: {  	s11 =	sadd.s32 @!p1 $0x800, s11;
	s10 =	simm.s32 $0x280;
	[sflag:s30] =	ssyncadd.s32 $0xFFFFFF80  }
0x52: {  	[tilespmem:s23], [sflag:$0x2] =	stream.indirect.gather [hbm4b:s1+s31], $0x80, s28, s31, $0xb8;
	[tilespmem:$0x1E080] =	vst v63  }
0x53: {  	s12 =	simm.s32 $0x2;
	s13 =	simm.s32 @!p1 $0x200;
	s10 =	sand.u32 @!p0 $0x380, s10  }
0x54: {  	[tilespmem:s10], [sflag:$0x1] =	stream.linear.gather @!p0 [hbm4b:s20+s14], $0x80, $0x38;
	[tilespmem:$0x1E080] =	vst v63  }
0x55: {  	s15 =	simm.s32 @!p1 $0x2;
	s13 =	sand.u32 @!p1 $0xE00, s13;
	s10 =	sor.u32 @!p0 $0x400, s10  }
0x56: {  	[tilespmem:s10], [sflag:$0x1] =	stream.linear.gather @!p0 [hbm4b:s21+s14], $0x80, $0x38;
	[tilespmem:$0x1E080] =	vst v63  }
0x57: {  	s9 =	simm.s32 $0x7;
	s14 =	simm.s32 @!p1 $0x4;
	_ =	swait.ge @!p1 [sflag:s15], $0x2800  }
0x58: {  	s10 =	sshrl.u32 @!p1 s13, $0x2;
	p0 =	sle.u32 @!p1 s5, $0x4;
	[sflag:s15] =	ssyncset.done @!p1 $0x0  }
0x59: {  	s13 =	simm.s32 @!p1 $0x3;
	p0 =	por p0, p1;
	[sflag:s15] =	ssyncadd.s32 @!p1 $0xFFFFD800  }
0x5a: {  	s16 =	sor.u32 @!p1 $0x400, s10;
	s10 =	simm.s32 @!p0 $0x1;
	_ =	swait.ge @!p1 [sflag:s13], $0x2800  }
0x5b: {  	s14 =	sand.u32 @!p0 $0x3, s14;
	s8 =	sand.u32 @!p0 $0xE00, s8;
	[sflag:s13] =	ssyncset.done @!p1 $0x0  }
0x5c: {  	s17 =	simm.s32 @!p0 $0x50;
	s15 =	simm.s32 @!p1 $0x50;
	[sflag:s13] =	ssyncadd.s32 @!p1 $0xFFFFD800  }
0x5d: {  	[spmem:s3] =	stream.indirect.scatter.add.f32 @!p1 [tilespmem:s11], [sflag:$0x3], $0x80, s16, s15, $0xb8;
	[tilespmem:$0x1E080] =	vst v63  }
0x5e: {  	s13 =	smul.u32 @!p0 $0xA000, s14;
	s14 =	simm.s32 $0x300;
	_ =	swait.ge @!p0 [sflag:s10], $0x80  }
0x5f: {  	s11 =	sshrl.u32 @!p0 s8, $0x2;
	s15 =	sadd.s32 $0x10, s20;
	[sflag:s10] =	ssyncset.done @!p0 $0x0  }
0x60: {  	s8 =	sshrl.u32 @!p0 s13, $0x2;
	s13 =	sadd.s32 $0x10, s21;
	[sflag:s10] =	ssyncadd.s32 @!p0 $0xFFFFFF80  }
0x61: {  	s16 =	sadd.s32 @!p0 $0x800, s8;
	s8 =	simm.s32 $0xA00;
	_ =	swait.ge @!p0 [sflag:s10], $0x80  }
.LBB2_2:
0x62: {  	s22 =	sadd.s32 $0xFFFFFFFC, s9  }
0x63: {  	[sflag:s10] =	ssyncset.done @!p0 $0x0;
	s18 =	smov.u32 s9;
	s9 =	sadd.s32 $0x1, s9  }
0x64: {  	p2 =	sge.u32 s12, s5;
	p1 =	sne.s32 s9, $0x83;
	[sflag:s10] =	ssyncadd.s32 @!p0 $0xFFFFFF80  }
0x65: {  	s10 =	sand.u32 @!p2 $0x3, s12;
	p3 =	sge.u32 @!p2 s7, s5;
	s12 =	sadd.s32 @!p2 $0xFFFFFA00, s8  }
0x66: {  	p3 =	por p3, p2;
	s10 =	smul.u32 @!p2 $0xA000, s10;
	s12 =	sand.u32 @!p2 $0xE00, s12  }
0x67: {  	[tilespmem:s16], [sflag:$0x2] =	stream.indirect.gather @!p0 [hbm4b:s1+s17], $0x80, s11, s17, $0xb8;
	[tilespmem:$0x1E080] =	vst v63  }
0x68: {  	s11 =	sand.u32 @!p3 $0x380, s14;
	s16 =	simm.s32 @!p3 $0x0;
	s17 =	sadd.s32 @!p2 $0xFFFFFFFF, s7  }
0x69: {  	s23 =	simm.s32 @!p2 $0x2;
	s10 =	sshrl.u32 @!p2 s10, $0x2;
	s7 =	sor.u32 @!p3 $0x400, s11  }
0x6a: {  	[tilespmem:s11], [sflag:$0x1] =	stream.linear.gather @!p3 [hbm4b:s15+s16], $0x80, $0x38;
	[tilespmem:$0x1E080] =	vst v63  }
0x6b: {  	p0 =	sge.u32 @!p2 s17, s5;
	s11 =	sadd.s32 @!p2 $0x800, s10;
	s10 =	sshrl.u32 @!p2 s12, $0x2  }
0x6c: {  	[tilespmem:s7], [sflag:$0x1] =	stream.linear.gather @!p3 [hbm4b:s13+s16], $0x80, $0x38;
	[tilespmem:$0x1E080] =	vst v63  }
0x6d: {  	s12 =	smov.u32 s22;
	s16 =	simm.s32 @!p2 $0x3;
	_ =	swait.ge @!p2 [sflag:s23], $0x2800  }
0x6e: {  	s7 =	smov.u32 s18;
	[sflag:s23] =	ssyncset.done @!p2 $0x0  }
0x6f: {  	s18 =	simm.s32 @!p2 $0x50;
	[sflag:s23] =	ssyncadd.s32 @!p2 $0xFFFFD800  }
0x70: {  	p0 =	por p0, p2;
	s22 =	sor.u32 @!p2 $0x400, s10;
	_ =	swait.ge @!p2 [sflag:s16], $0x2800  }
0x71: {  	s17 =	sand.u32 @!p0 $0x3, s17;
	s10 =	simm.s32 @!p0 $0x1;
	[sflag:s16] =	ssyncset.done @!p2 $0x0  }
0x72: {  	s17 =	smul.u32 @!p0 $0xA000, s17;
	[sflag:s16] =	ssyncadd.s32 @!p2 $0xFFFFD800;
	s16 =	sand.u32 @!p0 $0xE00, s8  }
0x73: {  	[spmem:s3] =	stream.indirect.scatter.add.f32 @!p2 [tilespmem:s11], [sflag:$0x3], $0x80, s22, s18, $0xb8;
	[tilespmem:$0x1E080] =	vst v63  }
.Ltmp0:
0x74: {  	_ = 	snop;
	(pc) =	sbr.rel @p1 .LBB2_2-.Ltmp0, $4  }
0x75: {  	s11 =	sshrl.u32 @!p0 s16, $0x2;
	s16 =	sshrl.u32 @!p0 s17, $0x2;
	_ =	swait.ge @!p0 [sflag:s10], $0x80  }
0x76: {  	s8 =	sadd.s32 $0x200, s8;
	s16 =	sadd.s32 @!p0 $0x800, s16;
	[sflag:s10] =	ssyncset.done @!p0 $0x0  }
0x77: {  	s14 =	sadd.s32 $0x80, s14;
	s13 =	sadd.s32 $0x10, s13;
	[sflag:s10] =	ssyncadd.s32 @!p0 $0xFFFFFF80  }
0x78: {  	s15 =	sadd.s32 $0x10, s15;
	s17 =	simm.s32 @!p0 $0x50;
	_ =	swait.ge @!p0 [sflag:s10], $0x80  }
0x79: {  	p1 =	sge.u32 s12, s5  }
0x7a: {  	[sflag:s10] =	ssyncset.done @!p0 $0x0;
	p2 =	sge.u32 @!p1 s7, s5  }
0x7b: {  	[sflag:s10] =	ssyncadd.s32 @!p0 $0xFFFFFF80;
	p2 =	por p2, p1  }
0x7c: {  	[tilespmem:s16], [sflag:$0x2] =	stream.indirect.gather @!p0 [hbm4b:s1+s17], $0x80, s11, s17, $0xb8;
	[tilespmem:$0x1E080] =	vst v63  }
0x7d: {  	s9 =	sand.u32 @!p1 $0x3, s12;
	s11 =	sand.u32 @!p2 $0x380, s14;
	s12 =	simm.s32 @!p2 $0x0  }
0x7e: {  	[tilespmem:s11], [sflag:$0x1] =	stream.linear.gather @!p2 [hbm4b:s15+s12], $0x80, $0x38;
	[tilespmem:$0x1E080] =	vst v63  }
0x7f: {  	s10 =	sadd.s32 @!p1 $0xFFFFFA00, s8;
	s14 =	simm.s32 @!p1 $0x2;
	s11 =	sor.u32 @!p2 $0x400, s11  }
0x80: {  	[tilespmem:s11], [sflag:$0x1] =	stream.linear.gather @!p2 [hbm4b:s13+s12], $0x80, $0x38;
	[tilespmem:$0x1E080] =	vst v63  }
0x81: {  	s7 =	sadd.s32 @!p1 $0xFFFFFFFF, s7;
	s9 =	smul.u32 @!p1 $0xA000, s9;
	_ =	swait.ge @!p1 [sflag:s14], $0x2800  }
0x82: {  	s10 =	sand.u32 @!p1 $0xE00, s10;
	p0 =	sge.u32 @!p1 s7, s5;
	[sflag:s14] =	ssyncset.done @!p1 $0x0  }
0x83: {  	s10 =	sshrl.u32 @!p1 s10, $0x2;
	s11 =	simm.s32 @!p1 $0x3;
	[sflag:s14] =	ssyncadd.s32 @!p1 $0xFFFFD800  }
0x84: {  	p0 =	por p0, p1;
	s9 =	sshrl.u32 @!p1 s9, $0x2;
	_ =	swait.ge @!p1 [sflag:s11], $0x2800  }
0x85: {  	s10 =	sor.u32 @!p1 $0x400, s10;
	s9 =	sadd.s32 @!p1 $0x800, s9;
	[sflag:s11] =	ssyncset.done @!p1 $0x0  }
0x86: {  	s12 =	simm.s32 @!p1 $0x50;
	s13 =	simm.s32 @!p0 $0x1;
	[sflag:s11] =	ssyncadd.s32 @!p1 $0xFFFFD800  }
0x87: {  	[spmem:s3] =	stream.indirect.scatter.add.f32 @!p1 [tilespmem:s9], [sflag:$0x3], $0x80, s10, s12, $0xb8;
	[tilespmem:$0x1E080] =	vst v63  }
0x88: {  	_ =	swait.ge @!p0 [sflag:s13], $0x80  }
0x89: {  	s7 =	sand.u32 @!p0 $0x3, s7;
	[sflag:s13] =	ssyncset.done @!p0 $0x0  }
0x8a: {  	s7 =	smul.u32 @!p0 $0xA000, s7;
	[sflag:s13] =	ssyncadd.s32 @!p0 $0xFFFFFF80  }
0x8b: {  	s8 =	sand.u32 @!p0 $0xE00, s8;
	_ =	swait.ge @!p0 [sflag:s13], $0x80  }
0x8c: {  	s8 =	sshrl.u32 @!p0 s8, $0x2;
	s7 =	sshrl.u32 @!p0 s7, $0x2;
	[sflag:s13] =	ssyncset.done @!p0 $0x0  }
0x8d: {  	s7 =	sadd.s32 @!p0 $0x800, s7;
	s9 =	simm.s32 @!p0 $0x50;
	[sflag:s13] =	ssyncadd.s32 @!p0 $0xFFFFFF80  }
0x8e: {  	[tilespmem:s7], [sflag:$0x2] =	stream.indirect.gather @!p0 [hbm4b:s1+s9], $0x80, s8, s9, $0xb8;
	[tilespmem:$0x1E080] =	vst v63  }
0x8f: {  	_ =	swait.ge [sflag:s26], $0x2800  }
0x90: {  	[sflag:s26] =	ssyncset.done $0x0  }
0x91: {  	[sflag:s26] =	ssyncadd.s32 $0xFFFFD800  }
0x92: {  	[bflag:$0x0] =	sbarrier.arrive $0xFFFF  }
0x93: {  	s22 =	rddreg [dreg:$0x6]  }
0x94: {  	[hbm:s22], [sflag:s2] =	dma.local [spmem:s6], $0x2780  }
0x95: {  	_ =	swait.ge [sflag:s24], $0x2780  }
0x96: {  	s29 =	sadd.s32 $0x1, s29;
	s23 =	rddreg [dreg:$0x7]  }
0x97: {  	p0 =	sne.s32 s29, s23  }
.Ltmp1:
0x98: {  	_ = 	snop;
	(pc) =	sbr.rel @p0 .LBB2_1-.Ltmp1, $3  }
0x99: {  	_ =	sdelay $0x1  }
0x9a: {  	[sflag:s24] =	ssyncset.done $0x0  }
0x9b: {  	[sflag:s24] =	ssyncadd.s32 $0xFFFFD880  }
0x9c: {  	_ =	sfence.sel $0x180000  }
0x9d: {  	[bflag:$0x0] =	sbarrier.arrive $0xFFFF  }
0x9e: {  	_ =	strace $0x90000047  }
0x9f: {  	s0 =	stileid.u32;
	[bflag:$0x2] =	sbarrier.arrive $0xFFFF  }
0xa0: {  	p0 =	sne.s32 s0, $0x0;
	s0 =	rddreg [dreg:$0x3]  }
0xa1: {  	s0 =	sadd.s32 @!p0 $0x100000, s0  }
0xa2: {  	[sflag:s0] =	ssyncadd.tile.s32 @!p0 $0x1;
	_ =	shalt  }
.Lfunc_end2:
_tile_overlayer_lowered:
.L_overlay_start_2:
0xa3: {  	(tag) =	ssettag $0x2  }
0xa4: {  	s0 =	rddreg [dreg:$0x0];
	s2 =	stileid.u32  }
0xa5: {  	s1 =	rddreg [dreg:$0x1];
	p0 =	sne.s32 s2, $0x0  }
0xa6: {  	s3 =	rddreg [dreg:$0x2];
	[bflag:$0x3] =	sbarrier.arrive $0xFFFF;
	s2 =	simm.s32 @!p0 $0x1C04  }
0xa7: {  	[timem:s3], [sflag:s2] =	dma.local @!p0 [hbm:s0], s1  }
0xa8: {  	s0 =	simm.s32 @!p0 $0x4  }
0xa9: {  	_ =	swait.ge @!p0 [sflag:s0], s1  }
0xaa: {  	s1 =	ssub.s32 @!p0 $0x0, s1;
	[sflag:s0] =	ssyncset.done @!p0 $0x0  }
0xab: {  	[sflag:s0] =	ssyncadd.s32 @!p0 s1  }
0xac: {  	[bflag:$0x3] =	sbarrier.arrive $0xFFFF  }
0xad: {  	_ =	shalt  }

</sc_bundles>
